<compile_context>
chip_gen: v7x
topology: tpu7x:2x2x1
jax: 0.10.2.dev20260603
libtpu: 0.0.44.dev20260713+nightly
codegen_flags: <defaults>
</compile_context>

<pallas_src>
import jax
import jax.numpy as jnp
from jax import lax
from jax.experimental import pallas as pl
from jax.experimental.pallas import tpu as pltpu, tpu_sc as plsc

_WS = 16
_N = _WS * _WS
_NH = 32
_TBL = (2 * _WS - 1) ** 2
_NC, _NS, _L = 2, 16, 16
_NW = _NC * _NS
_RPW = _N // _NW
_BPW = _RPW * _N


_NG = 4
_HPG = _NH // _NG
_WPG = _HPG * _TBL


def _sc_body(table_hbm, idx_hbm, out_hbm, table_v, idx_v, out_v, tsems, osem):
    wid = lax.axis_index("s") * _NC + lax.axis_index("c")
    row0 = wid * _RPW
    tcopies = [
        pltpu.async_copy(
            table_hbm.at[pl.ds(g * _WPG, _WPG)],
            table_v.at[pl.ds(g * _WPG, _WPG)],
            tsems[g],
        )
        for g in range(_NG)
    ]
    pltpu.sync_copy(idx_hbm.at[pl.ds(row0, _RPW), :], idx_v)

    ocopies = []
    for g in range(_NG):
        tcopies[g].wait()

        @plsc.parallel_loop(0, _BPW // _L, unroll=2)
        def _gather_loop(v):
            r = v // (_N // _L)
            c = lax.rem(v, _N // _L)
            pos = idx_v[r, pl.ds(c * _L, _L)]
            for h in range(g * _HPG, (g + 1) * _HPG):
                out_v[h, r, pl.ds(c * _L, _L)] = plsc.load_gather(
                    table_v, [pos + (h * _TBL)]
                )

        ocopies.append(
            pltpu.async_copy(
                out_v.at[pl.ds(g * _HPG, _HPG)],
                out_hbm.at[pl.ds(g * _HPG, _HPG), pl.ds(row0, _RPW), :],
                osem,
            )
        )
    for c in ocopies:
        c.wait()


def kernel(x, relative_position_bias_table, relative_position_index):
    table_flat = relative_position_bias_table.T.reshape(-1)
    mesh = plsc.VectorSubcoreMesh(core_axis_name="c", subcore_axis_name="s")
    out = pl.kernel(
        _sc_body,
        mesh=mesh,
        out_type=jax.ShapeDtypeStruct((_NH, _N, _N), jnp.float32),
        compiler_params=pltpu.CompilerParams(needs_layout_passes=False),
        scratch_types=[
            pltpu.VMEM((_TBL * _NH,), jnp.float32),
            pltpu.VMEM((_RPW, _N), jnp.int32),
            pltpu.VMEM((_NH, _RPW, _N), jnp.float32),
            [pltpu.SemaphoreType.DMA] * _NG,
            pltpu.SemaphoreType.DMA,
        ],
    )(table_flat, relative_position_index)
    return out

# --- scband reference (transcript-rebuilt; emitter-appended) ---
"""Pipeline reference for scband-relative-position-bias-69655779606748 (READ-ONLY COPY).

The authoritative reference and input builder live on the scoring server;
editing this copy changes nothing except your own understanding.
"""

import jax, jax.numpy as jnp
import numpy as np

WINDOW_SIZE = 16
NUM_HEADS = 32

def _relative_position_index(ws):
    coords_h = np.arange(ws)
    coords_w = np.arange(ws)
    coords = np.stack(np.meshgrid(coords_h, coords_w, indexing='ij'))
    coords_flatten = coords.reshape(2, -1)
    relative_coords = coords_flatten[:, :, None] - coords_flatten[:, None, :]
    relative_coords = relative_coords.transpose(1, 2, 0)
    relative_coords = relative_coords + np.array([ws - 1, ws - 1])
    relative_coords = relative_coords * np.array([2 * ws - 1, 1])
    return relative_coords.sum(-1)

def setup_inputs(seed: int = 0):
    key = jax.random.key(seed)
    k1, k2 = jax.random.split(key)
    n = WINDOW_SIZE * WINDOW_SIZE
    x = jax.random.normal(k1, (1, NUM_HEADS, n, n), dtype=jnp.float32)
    table = jax.random.truncated_normal(k2, -2.0, 2.0, ((2 * WINDOW_SIZE - 1) * (2 * WINDOW_SIZE - 1), NUM_HEADS), dtype=jnp.float32) * 0.02
    rel_index = jnp.asarray(_relative_position_index(WINDOW_SIZE), dtype=jnp.int32)
    return {"x": x, "relative_position_bias_table": table, "relative_position_index": rel_index}

def reference(x, relative_position_bias_table, relative_position_index):
    n = WINDOW_SIZE * WINDOW_SIZE
    bias = jnp.take(relative_position_bias_table, relative_position_index.reshape(-1), axis=0)
    bias = bias.reshape(n, n, -1)
    bias = jnp.transpose(bias, (2, 0, 1))
    return bias

if __name__ == "__main__":
    import jax
    _d = setup_inputs()
    print(jax.jit(kernel)(*tuple(_d.values())))

</pallas_src>

<mosaic_0001>
#map = affine_map<(d0, d1) -> (0)>
#map1 = affine_map<(d0, d1) -> (0, 0)>
#map2 = affine_map<(d0, d1) -> (0, 0, 0)>
module attributes {stable_mosaic.version = 14 : i64} {
  func.func @_sc_body(%arg0: i32, %arg1: i32, %arg2: memref<30752xf32, #tpu.memory_space<hbm>>, %arg3: memref<256x256xi32, #tpu.memory_space<hbm>>, %arg4: memref<32x256x256xf32, #tpu.memory_space<hbm>>, %arg5: memref<30752xf32, #tpu.memory_space<vmem>>, %arg6: memref<8x256xi32, #tpu.memory_space<vmem>>, %arg7: memref<32x8x256xf32, #tpu.memory_space<vmem>>, %arg8: memref<!tpu.dma_semaphore, #tpu.memory_space<semaphore_mem>>, %arg9: memref<!tpu.dma_semaphore, #tpu.memory_space<semaphore_mem>>, %arg10: memref<!tpu.dma_semaphore, #tpu.memory_space<semaphore_mem>>, %arg11: memref<!tpu.dma_semaphore, #tpu.memory_space<semaphore_mem>>, %arg12: memref<!tpu.dma_semaphore, #tpu.memory_space<semaphore_mem>>) attributes {dimension_semantics = [#tpu.dimension_semantics<core_parallel>, #tpu.dimension_semantics<subcore_parallel>], iteration_bounds = array<i64: 2, 16>, scalar_prefetch = 0 : i64, scratch_operands = 8 : i64, tpu.core_type = #tpu.core_type<sc_vector_subcore>, window_params = [{transform_indices = #map}, {transform_indices = #map1}, {transform_indices = #map2}]} {
    %mul3A = arith.constant 2 : i32
    %mul3A_0 = arith.muli %arg1, %mul3A : i32
    %add3A = arith.addi %mul3A_0, %arg0 : i32
    %mul3A_1 = arith.constant 8 : i32
    %mul3A_2 = arith.muli %add3A, %mul3A_1 : i32
    %dma_start3A = arith.constant 0 : i32
    %dma_start3A_3 = tpu.memref_slice %arg5[%dma_start3A] : memref<30752xf32, #tpu.memory_space<vmem>> -> memref<7688xf32, #tpu.memory_space<vmem>>
    %dma_start3A_4 = arith.constant 0 : i32
    %dma_start3A_5 = tpu.memref_slice %arg2[%dma_start3A_4] : memref<30752xf32, #tpu.memory_space<hbm>> -> memref<7688xf32, #tpu.memory_space<hbm>>
    %dma_start3A_6 = arith.constant 0 : i32
    %dma_start3A_7 = tpu.memref_slice %arg5[%dma_start3A_6] : memref<30752xf32, #tpu.memory_space<vmem>> -> memref<7688xf32, #tpu.memory_space<vmem>>
    %dma_start3A_8 = arith.constant 0 : i32
    %dma_start3A_9 = tpu.memref_slice %arg2[%dma_start3A_8] : memref<30752xf32, #tpu.memory_space<hbm>> -> memref<7688xf32, #tpu.memory_space<hbm>>
    tpu.enqueue_dma source(%dma_start3A_9 : memref<7688xf32, #tpu.memory_space<hbm>>) target(%dma_start3A_7 : memref<7688xf32, #tpu.memory_space<vmem>>) target_semaphore(%arg8 : memref<!tpu.dma_semaphore, #tpu.memory_space<semaphore_mem>>)
    %dma_start3A_10 = arith.constant 7688 : i32
    %dma_start3A_11 = tpu.memref_slice %arg5[%dma_start3A_10] : memref<30752xf32, #tpu.memory_space<vmem>> -> memref<7688xf32, #tpu.memory_space<vmem>>
    %dma_start3A_12 = arith.constant 7688 : i32
    %dma_start3A_13 = tpu.memref_slice %arg2[%dma_start3A_12] : memref<30752xf32, #tpu.memory_space<hbm>> -> memref<7688xf32, #tpu.memory_space<hbm>>
    %dma_start3A_14 = arith.constant 7688 : i32
    %dma_start3A_15 = tpu.memref_slice %arg5[%dma_start3A_14] : memref<30752xf32, #tpu.memory_space<vmem>> -> memref<7688xf32, #tpu.memory_space<vmem>>
    %dma_start3A_16 = arith.constant 7688 : i32
    %dma_start3A_17 = tpu.memref_slice %arg2[%dma_start3A_16] : memref<30752xf32, #tpu.memory_space<hbm>> -> memref<7688xf32, #tpu.memory_space<hbm>>
    tpu.enqueue_dma source(%dma_start3A_17 : memref<7688xf32, #tpu.memory_space<hbm>>) target(%dma_start3A_15 : memref<7688xf32, #tpu.memory_space<vmem>>) target_semaphore(%arg9 : memref<!tpu.dma_semaphore, #tpu.memory_space<semaphore_mem>>)
    %dma_start3A_18 = arith.constant 15376 : i32
    %dma_start3A_19 = tpu.memref_slice %arg5[%dma_start3A_18] : memref<30752xf32, #tpu.memory_space<vmem>> -> memref<7688xf32, #tpu.memory_space<vmem>>
    %dma_start3A_20 = arith.constant 15376 : i32
    %dma_start3A_21 = tpu.memref_slice %arg2[%dma_start3A_20] : memref<30752xf32, #tpu.memory_space<hbm>> -> memref<7688xf32, #tpu.memory_space<hbm>>
    %dma_start3A_22 = arith.constant 15376 : i32
    %dma_start3A_23 = tpu.memref_slice %arg5[%dma_start3A_22] : memref<30752xf32, #tpu.memory_space<vmem>> -> memref<7688xf32, #tpu.memory_space<vmem>>
    %dma_start3A_24 = arith.constant 15376 : i32
    %dma_start3A_25 = tpu.memref_slice %arg2[%dma_start3A_24] : memref<30752xf32, #tpu.memory_space<hbm>> -> memref<7688xf32, #tpu.memory_space<hbm>>
    tpu.enqueue_dma source(%dma_start3A_25 : memref<7688xf32, #tpu.memory_space<hbm>>) target(%dma_start3A_23 : memref<7688xf32, #tpu.memory_space<vmem>>) target_semaphore(%arg10 : memref<!tpu.dma_semaphore, #tpu.memory_space<semaphore_mem>>)
    %dma_start3A_26 = arith.constant 23064 : i32
    %dma_start3A_27 = tpu.memref_slice %arg5[%dma_start3A_26] : memref<30752xf32, #tpu.memory_space<vmem>> -> memref<7688xf32, #tpu.memory_space<vmem>>
    %dma_start3A_28 = arith.constant 23064 : i32
    %dma_start3A_29 = tpu.memref_slice %arg2[%dma_start3A_28] : memref<30752xf32, #tpu.memory_space<hbm>> -> memref<7688xf32, #tpu.memory_space<hbm>>
    %dma_start3A_30 = arith.constant 23064 : i32
    %dma_start3A_31 = tpu.memref_slice %arg5[%dma_start3A_30] : memref<30752xf32, #tpu.memory_space<vmem>> -> memref<7688xf32, #tpu.memory_space<vmem>>
    %dma_start3A_32 = arith.constant 23064 : i32
    %dma_start3A_33 = tpu.memref_slice %arg2[%dma_start3A_32] : memref<30752xf32, #tpu.memory_space<hbm>> -> memref<7688xf32, #tpu.memory_space<hbm>>
    tpu.enqueue_dma source(%dma_start3A_33 : memref<7688xf32, #tpu.memory_space<hbm>>) target(%dma_start3A_31 : memref<7688xf32, #tpu.memory_space<vmem>>) target_semaphore(%arg11 : memref<!tpu.dma_semaphore, #tpu.memory_space<semaphore_mem>>)
    "tpu.region"() ({
      %run_scoped3A = tpu.sem_alloc : memref<!tpu.dma_semaphore, #tpu.memory_space<semaphore_mem>>
      %dma_start3A_188 = arith.constant 0 : i32
      %dma_start3A_189 = tpu.memref_slice %arg3[%mul3A_2, %dma_start3A_188] : memref<256x256xi32, #tpu.memory_space<hbm>> -> memref<8x256xi32, #tpu.memory_space<hbm>>
      %dma_start3A_190 = arith.constant 0 : i32
      %dma_start3A_191 = tpu.memref_slice %arg3[%mul3A_2, %dma_start3A_190] : memref<256x256xi32, #tpu.memory_space<hbm>> -> memref<8x256xi32, #tpu.memory_space<hbm>>
      tpu.enqueue_dma source(%dma_start3A_191 : memref<8x256xi32, #tpu.memory_space<hbm>>) target(%arg6 : memref<8x256xi32, #tpu.memory_space<vmem>>) target_semaphore(%run_scoped3A : memref<!tpu.dma_semaphore, #tpu.memory_space<semaphore_mem>>)
      %dma_wait3A_192 = arith.constant 0 : i32
      %dma_wait3A_193 = tpu.memref_slice %arg3[%mul3A_2, %dma_wait3A_192] : memref<256x256xi32, #tpu.memory_space<hbm>> -> memref<8x256xi32, #tpu.memory_space<hbm>>
      %dma_wait3A_194 = arith.constant 0 : i32
      %dma_wait3A_195 = tpu.memref_slice %arg3[%mul3A_2, %dma_wait3A_194] : memref<256x256xi32, #tpu.memory_space<hbm>> -> memref<8x256xi32, #tpu.memory_space<hbm>>
      tpu.wait_dma2 semaphore(%run_scoped3A : memref<!tpu.dma_semaphore, #tpu.memory_space<semaphore_mem>>) src(%dma_wait3A_195 : memref<8x256xi32, #tpu.memory_space<hbm>>) dst(%arg6 : memref<8x256xi32, #tpu.memory_space<vmem>>)
      tpu.yield
    }) : () -> ()
    %dma_wait3A = arith.constant 0 : i32
    %dma_wait3A_34 = tpu.memref_slice %arg5[%dma_wait3A] : memref<30752xf32, #tpu.memory_space<vmem>> -> memref<7688xf32, #tpu.memory_space<vmem>>
    %dma_wait3A_35 = arith.constant 0 : i32
    %dma_wait3A_36 = tpu.memref_slice %arg2[%dma_wait3A_35] : memref<30752xf32, #tpu.memory_space<hbm>> -> memref<7688xf32, #tpu.memory_space<hbm>>
    %dma_wait3A_37 = arith.constant 0 : i32
    %dma_wait3A_38 = tpu.memref_slice %arg5[%dma_wait3A_37] : memref<30752xf32, #tpu.memory_space<vmem>> -> memref<7688xf32, #tpu.memory_space<vmem>>
    %dma_wait3A_39 = arith.constant 0 : i32
    %dma_wait3A_40 = tpu.memref_slice %arg2[%dma_wait3A_39] : memref<30752xf32, #tpu.memory_space<hbm>> -> memref<7688xf32, #tpu.memory_space<hbm>>
    tpu.wait_dma2 semaphore(%arg8 : memref<!tpu.dma_semaphore, #tpu.memory_space<semaphore_mem>>) src(%dma_wait3A_40 : memref<7688xf32, #tpu.memory_space<hbm>>) dst(%dma_wait3A_38 : memref<7688xf32, #tpu.memory_space<vmem>>)
    %parallel_loop3A = arith.constant 0 : i32
    %parallel_loop3A_41 = arith.constant 128 : i32
    %parallel_loop3A_42 = arith.constant 1 : i32
    scf.for %parallel_loop3A_188 = %parallel_loop3A to %parallel_loop3A_41 step %parallel_loop3A_42  : i32 {
      %parallel_loop3A_189 = arith.constant 16 : i32
      %parallel_loop3A_190 = arith.divsi %parallel_loop3A_188, %parallel_loop3A_189 : i32
      %parallel_loop3A_191 = arith.constant 0 : i32
      %parallel_loop3A_192 = arith.cmpi sgt, %parallel_loop3A_188, %parallel_loop3A_191 : i32
      %parallel_loop3A_193 = arith.extui %parallel_loop3A_192 : i1 to i32
      %parallel_loop3A_194 = arith.constant 0 : i32
      %parallel_loop3A_195 = arith.cmpi slt, %parallel_loop3A_188, %parallel_loop3A_194 : i32
      %parallel_loop3A_196 = arith.extui %parallel_loop3A_195 : i1 to i32
      %parallel_loop3A_197 = arith.subi %parallel_loop3A_193, %parallel_loop3A_196 : i32
      %parallel_loop3A_198 = arith.constant 0 : i32
      %parallel_loop3A_199 = arith.cmpi sgt, %parallel_loop3A_189, %parallel_loop3A_198 : i32
      %parallel_loop3A_200 = arith.extui %parallel_loop3A_199 : i1 to i32
      %parallel_loop3A_201 = arith.constant 0 : i32
      %parallel_loop3A_202 = arith.cmpi slt, %parallel_loop3A_189, %parallel_loop3A_201 : i32
      %parallel_loop3A_203 = arith.extui %parallel_loop3A_202 : i1 to i32
      %parallel_loop3A_204 = arith.subi %parallel_loop3A_200, %parallel_loop3A_203 : i32
      %parallel_loop3A_205 = arith.cmpi ne, %parallel_loop3A_197, %parallel_loop3A_204 : i32
      %parallel_loop3A_206 = arith.remsi %parallel_loop3A_188, %parallel_loop3A_189 : i32
      %parallel_loop3A_207 = arith.constant 0 : i32
      %parallel_loop3A_208 = arith.cmpi ne, %parallel_loop3A_206, %parallel_loop3A_207 : i32
      %parallel_loop3A_209 = arith.andi %parallel_loop3A_205, %parallel_loop3A_208 : i1
      %parallel_loop3A_210 = arith.constant 1 : i32
      %parallel_loop3A_211 = arith.subi %parallel_loop3A_190, %parallel_loop3A_210 : i32
      %parallel_loop3A_212 = arith.select %parallel_loop3A_209, %parallel_loop3A_211, %parallel_loop3A_190 : i32
      %parallel_loop3A_213 = arith.constant 16 : i32
      %parallel_loop3A_214 = arith.remsi %parallel_loop3A_188, %parallel_loop3A_213 : i32
      %parallel_loop3A_215 = arith.constant 16 : i32
      %parallel_loop3A_216 = arith.muli %parallel_loop3A_214, %parallel_loop3A_215 : i32
      %parallel_loop3A_217 = arith.index_cast %parallel_loop3A_212 : i32 to index
      %parallel_loop3A_218 = arith.index_cast %parallel_loop3A_216 : i32 to index
      %parallel_loop3A_219 = tpu.vector_load %arg6[%parallel_loop3A_217, %parallel_loop3A_218] {strides = array<i32>} : memref<8x256xi32, #tpu.memory_space<vmem>>, vector<16xi32>,
      %parallel_loop3A_220 = arith.constant 0 : i32
      %parallel_loop3A_221 = vector.broadcast %parallel_loop3A_220 : i32 to vector<16xi32>
      %parallel_loop3A_222 = arith.addi %parallel_loop3A_219, %parallel_loop3A_221 : vector<16xi32>
      %parallel_loop3A_223 = tpu.vector_load_idx %arg5[%parallel_loop3A_222] : memref<30752xf32, #tpu.memory_space<vmem>>[vector<16xi32>], vector<16xf32>,
      %parallel_loop3A_224 = arith.constant 16 : i32
      %parallel_loop3A_225 = arith.muli %parallel_loop3A_214, %parallel_loop3A_224 : i32
      %parallel_loop3A_226 = arith.constant 0 : i32
      %parallel_loop3A_227 = arith.index_cast %parallel_loop3A_226 : i32 to index
      %parallel_loop3A_228 = arith.index_cast %parallel_loop3A_212 : i32 to index
      %parallel_loop3A_229 = arith.index_cast %parallel_loop3A_225 : i32 to index
      %parallel_loop3A_230 = tpu.vector_load %arg7[%parallel_loop3A_227, %parallel_loop3A_228, %parallel_loop3A_229] {strides = array<i32>} : memref<32x8x256xf32, #tpu.memory_space<vmem>>, vector<16xf32>,
      tpu.vector_store %arg7[%parallel_loop3A_227, %parallel_loop3A_228, %parallel_loop3A_229], %parallel_loop3A_223 {strides = array<i32>} : memref<32x8x256xf32, #tpu.memory_space<vmem>>, vector<16xf32>,
      %parallel_loop3A_231 = arith.constant 961 : i32
      %parallel_loop3A_232 = vector.broadcast %parallel_loop3A_231 : i32 to vector<16xi32>
      %parallel_loop3A_233 = arith.addi %parallel_loop3A_219, %parallel_loop3A_232 : vector<16xi32>
      %parallel_loop3A_234 = tpu.vector_load_idx %arg5[%parallel_loop3A_233] : memref<30752xf32, #tpu.memory_space<vmem>>[vector<16xi32>], vector<16xf32>,
      %parallel_loop3A_235 = arith.constant 16 : i32
      %parallel_loop3A_236 = arith.muli %parallel_loop3A_214, %parallel_loop3A_235 : i32
      %parallel_loop3A_237 = arith.constant 1 : i32
      %parallel_loop3A_238 = arith.index_cast %parallel_loop3A_237 : i32 to index
      %parallel_loop3A_239 = arith.index_cast %parallel_loop3A_212 : i32 to index
      %parallel_loop3A_240 = arith.index_cast %parallel_loop3A_236 : i32 to index
      %parallel_loop3A_241 = tpu.vector_load %arg7[%parallel_loop3A_238, %parallel_loop3A_239, %parallel_loop3A_240] {strides = array<i32>} : memref<32x8x256xf32, #tpu.memory_space<vmem>>, vector<16xf32>,
      tpu.vector_store %arg7[%parallel_loop3A_238, %parallel_loop3A_239, %parallel_loop3A_240], %parallel_loop3A_234 {strides = array<i32>} : memref<32x8x256xf32, #tpu.memory_space<vmem>>, vector<16xf32>,
      %parallel_loop3A_242 = arith.constant 1922 : i32
      %parallel_loop3A_243 = vector.broadcast %parallel_loop3A_242 : i32 to vector<16xi32>
      %parallel_loop3A_244 = arith.addi %parallel_loop3A_219, %parallel_loop3A_243 : vector<16xi32>
      %parallel_loop3A_245 = tpu.vector_load_idx %arg5[%parallel_loop3A_244] : memref<30752xf32, #tpu.memory_space<vmem>>[vector<16xi32>], vector<16xf32>,
      %parallel_loop3A_246 = arith.constant 16 : i32
      %parallel_loop3A_247 = arith.muli %parallel_loop3A_214, %parallel_loop3A_246 : i32
      %parallel_loop3A_248 = arith.constant 2 : i32
      %parallel_loop3A_249 = arith.index_cast %parallel_loop3A_248 : i32 to index
      %parallel_loop3A_250 = arith.index_cast %parallel_loop3A_212 : i32 to index
      %parallel_loop3A_251 = arith.index_cast %parallel_loop3A_247 : i32 to index
      %parallel_loop3A_252 = tpu.vector_load %arg7[%parallel_loop3A_249, %parallel_loop3A_250, %parallel_loop3A_251] {strides = array<i32>} : memref<32x8x256xf32, #tpu.memory_space<vmem>>, vector<16xf32>,
      tpu.vector_store %arg7[%parallel_loop3A_249, %parallel_loop3A_250, %parallel_loop3A_251], %parallel_loop3A_245 {strides = array<i32>} : memref<32x8x256xf32, #tpu.memory_space<vmem>>, vector<16xf32>,
      %parallel_loop3A_253 = arith.constant 2883 : i32
      %parallel_loop3A_254 = vector.broadcast %parallel_loop3A_253 : i32 to vector<16xi32>
      %parallel_loop3A_255 = arith.addi %parallel_loop3A_219, %parallel_loop3A_254 : vector<16xi32>
      %parallel_loop3A_256 = tpu.vector_load_idx %arg5[%parallel_loop3A_255] : memref<30752xf32, #tpu.memory_space<vmem>>[vector<16xi32>], vector<16xf32>,
      %parallel_loop3A_257 = arith.constant 16 : i32
      %parallel_loop3A_258 = arith.muli %parallel_loop3A_214, %parallel_loop3A_257 : i32
      %parallel_loop3A_259 = arith.constant 3 : i32
      %parallel_loop3A_260 = arith.index_cast %parallel_loop3A_259 : i32 to index
      %parallel_loop3A_261 = arith.index_cast %parallel_loop3A_212 : i32 to index
      %parallel_loop3A_262 = arith.index_cast %parallel_loop3A_258 : i32 to index
      %parallel_loop3A_263 = tpu.vector_load %arg7[%parallel_loop3A_260, %parallel_loop3A_261, %parallel_loop3A_262] {strides = array<i32>} : memref<32x8x256xf32, #tpu.memory_space<vmem>>, vector<16xf32>,
      tpu.vector_store %arg7[%parallel_loop3A_260, %parallel_loop3A_261, %parallel_loop3A_262], %parallel_loop3A_256 {strides = array<i32>} : memref<32x8x256xf32, #tpu.memory_space<vmem>>, vector<16xf32>,
      %parallel_loop3A_264 = arith.constant 3844 : i32
      %parallel_loop3A_265 = vector.broadcast %parallel_loop3A_264 : i32 to vector<16xi32>
      %parallel_loop3A_266 = arith.addi %parallel_loop3A_219, %parallel_loop3A_265 : vector<16xi32>
      %parallel_loop3A_267 = tpu.vector_load_idx %arg5[%parallel_loop3A_266] : memref<30752xf32, #tpu.memory_space<vmem>>[vector<16xi32>], vector<16xf32>,
      %parallel_loop3A_268 = arith.constant 16 : i32
      %parallel_loop3A_269 = arith.muli %parallel_loop3A_214, %parallel_loop3A_268 : i32
      %parallel_loop3A_270 = arith.constant 4 : i32
      %parallel_loop3A_271 = arith.index_cast %parallel_loop3A_270 : i32 to index
      %parallel_loop3A_272 = arith.index_cast %parallel_loop3A_212 : i32 to index
      %parallel_loop3A_273 = arith.index_cast %parallel_loop3A_269 : i32 to index
      %parallel_loop3A_274 = tpu.vector_load %arg7[%parallel_loop3A_271, %parallel_loop3A_272, %parallel_loop3A_273] {strides = array<i32>} : memref<32x8x256xf32, #tpu.memory_space<vmem>>, vector<16xf32>,
      tpu.vector_store %arg7[%parallel_loop3A_271, %parallel_loop3A_272, %parallel_loop3A_273], %parallel_loop3A_267 {strides = array<i32>} : memref<32x8x256xf32, #tpu.memory_space<vmem>>, vector<16xf32>,
      %parallel_loop3A_275 = arith.constant 4805 : i32
      %parallel_loop3A_276 = vector.broadcast %parallel_loop3A_275 : i32 to vector<16xi32>
      %parallel_loop3A_277 = arith.addi %parallel_loop3A_219, %parallel_loop3A_276 : vector<16xi32>
      %parallel_loop3A_278 = tpu.vector_load_idx %arg5[%parallel_loop3A_277] : memref<30752xf32, #tpu.memory_space<vmem>>[vector<16xi32>], vector<16xf32>,
      %parallel_loop3A_279 = arith.constant 16 : i32
      %parallel_loop3A_280 = arith.muli %parallel_loop3A_214, %parallel_loop3A_279 : i32
      %parallel_loop3A_281 = arith.constant 5 : i32
      %parallel_loop3A_282 = arith.index_cast %parallel_loop3A_281 : i32 to index
      %parallel_loop3A_283 = arith.index_cast %parallel_loop3A_212 : i32 to index
      %parallel_loop3A_284 = arith.index_cast %parallel_loop3A_280 : i32 to index
      %parallel_loop3A_285 = tpu.vector_load %arg7[%parallel_loop3A_282, %parallel_loop3A_283, %parallel_loop3A_284] {strides = array<i32>} : memref<32x8x256xf32, #tpu.memory_space<vmem>>, vector<16xf32>,
      tpu.vector_store %arg7[%parallel_loop3A_282, %parallel_loop3A_283, %parallel_loop3A_284], %parallel_loop3A_278 {strides = array<i32>} : memref<32x8x256xf32, #tpu.memory_space<vmem>>, vector<16xf32>,
      %parallel_loop3A_286 = arith.constant 5766 : i32
      %parallel_loop3A_287 = vector.broadcast %parallel_loop3A_286 : i32 to vector<16xi32>
      %parallel_loop3A_288 = arith.addi %parallel_loop3A_219, %parallel_loop3A_287 : vector<16xi32>
      %parallel_loop3A_289 = tpu.vector_load_idx %arg5[%parallel_loop3A_288] : memref<30752xf32, #tpu.memory_space<vmem>>[vector<16xi32>], vector<16xf32>,
      %parallel_loop3A_290 = arith.constant 16 : i32
      %parallel_loop3A_291 = arith.muli %parallel_loop3A_214, %parallel_loop3A_290 : i32
      %parallel_loop3A_292 = arith.constant 6 : i32
      %parallel_loop3A_293 = arith.index_cast %parallel_loop3A_292 : i32 to index
      %parallel_loop3A_294 = arith.index_cast %parallel_loop3A_212 : i32 to index
      %parallel_loop3A_295 = arith.index_cast %parallel_loop3A_291 : i32 to index
      %parallel_loop3A_296 = tpu.vector_load %arg7[%parallel_loop3A_293, %parallel_loop3A_294, %parallel_loop3A_295] {strides = array<i32>} : memref<32x8x256xf32, #tpu.memory_space<vmem>>, vector<16xf32>,
      tpu.vector_store %arg7[%parallel_loop3A_293, %parallel_loop3A_294, %parallel_loop3A_295], %parallel_loop3A_289 {strides = array<i32>} : memref<32x8x256xf32, #tpu.memory_space<vmem>>, vector<16xf32>,
      %parallel_loop3A_297 = arith.constant 6727 : i32
      %parallel_loop3A_298 = vector.broadcast %parallel_loop3A_297 : i32 to vector<16xi32>
      %parallel_loop3A_299 = arith.addi %parallel_loop3A_219, %parallel_loop3A_298 : vector<16xi32>
      %parallel_loop3A_300 = tpu.vector_load_idx %arg5[%parallel_loop3A_299] : memref<30752xf32, #tpu.memory_space<vmem>>[vector<16xi32>], vector<16xf32>,
      %parallel_loop3A_301 = arith.constant 16 : i32
      %parallel_loop3A_302 = arith.muli %parallel_loop3A_214, %parallel_loop3A_301 : i32
      %parallel_loop3A_303 = arith.constant 7 : i32
      %parallel_loop3A_304 = arith.index_cast %parallel_loop3A_303 : i32 to index
      %parallel_loop3A_305 = arith.index_cast %parallel_loop3A_212 : i32 to index
      %parallel_loop3A_306 = arith.index_cast %parallel_loop3A_302 : i32 to index
      %parallel_loop3A_307 = tpu.vector_load %arg7[%parallel_loop3A_304, %parallel_loop3A_305, %parallel_loop3A_306] {strides = array<i32>} : memref<32x8x256xf32, #tpu.memory_space<vmem>>, vector<16xf32>,
      tpu.vector_store %arg7[%parallel_loop3A_304, %parallel_loop3A_305, %parallel_loop3A_306], %parallel_loop3A_300 {strides = array<i32>} : memref<32x8x256xf32, #tpu.memory_space<vmem>>, vector<16xf32>,
    } {sc.loop_unroll_factor = 2 : i64, sc.parallel_access}
    %dma_start3A_43 = arith.constant 0 : i32
    %dma_start3A_44 = arith.constant 0 : i32
    %dma_start3A_45 = arith.constant 0 : i32
    %dma_start3A_46 = tpu.memref_slice %arg7[%dma_start3A_43, %dma_start3A_44, %dma_start3A_45] : memref<32x8x256xf32, #tpu.memory_space<vmem>> -> memref<8x8x256xf32, #tpu.memory_space<vmem>>
    %dma_start3A_47 = arith.constant 0 : i32
    %dma_start3A_48 = arith.constant 0 : i32
    %dma_start3A_49 = tpu.memref_slice %arg4[%dma_start3A_47, %mul3A_2, %dma_start3A_48] : memref<32x256x256xf32, #tpu.memory_space<hbm>> -> memref<8x8x256xf32, #tpu.memory_space<hbm>>
    %dma_start3A_50 = arith.constant 0 : i32
    %dma_start3A_51 = arith.constant 0 : i32
    %dma_start3A_52 = tpu.memref_slice %arg4[%dma_start3A_50, %mul3A_2, %dma_start3A_51] : memref<32x256x256xf32, #tpu.memory_space<hbm>> -> memref<8x8x256xf32, #tpu.memory_space<hbm>>
    %dma_start3A_53 = arith.constant 0 : i32
    %dma_start3A_54 = arith.constant 0 : i32
    %dma_start3A_55 = arith.constant 0 : i32
    %dma_start3A_56 = tpu.memref_slice %arg7[%dma_start3A_53, %dma_start3A_54, %dma_start3A_55] : memref<32x8x256xf32, #tpu.memory_space<vmem>> -> memref<8x8x256xf32, #tpu.memory_space<vmem>>
    tpu.enqueue_dma source(%dma_start3A_56 : memref<8x8x256xf32, #tpu.memory_space<vmem>>) target(%dma_start3A_52 : memref<8x8x256xf32, #tpu.memory_space<hbm>>) target_semaphore(%arg12 : memref<!tpu.dma_semaphore, #tpu.memory_space<semaphore_mem>>)
    %dma_wait3A_57 = arith.constant 7688 : i32
    %dma_wait3A_58 = tpu.memref_slice %arg5[%dma_wait3A_57] : memref<30752xf32, #tpu.memory_space<vmem>> -> memref<7688xf32, #tpu.memory_space<vmem>>
    %dma_wait3A_59 = arith.constant 7688 : i32
    %dma_wait3A_60 = tpu.memref_slice %arg2[%dma_wait3A_59] : memref<30752xf32, #tpu.memory_space<hbm>> -> memref<7688xf32, #tpu.memory_space<hbm>>
    %dma_wait3A_61 = arith.constant 7688 : i32
    %dma_wait3A_62 = tpu.memref_slice %arg5[%dma_wait3A_61] : memref<30752xf32, #tpu.memory_space<vmem>> -> memref<7688xf32, #tpu.memory_space<vmem>>
    %dma_wait3A_63 = arith.constant 7688 : i32
    %dma_wait3A_64 = tpu.memref_slice %arg2[%dma_wait3A_63] : memref<30752xf32, #tpu.memory_space<hbm>> -> memref<7688xf32, #tpu.memory_space<hbm>>
    tpu.wait_dma2 semaphore(%arg9 : memref<!tpu.dma_semaphore, #tpu.memory_space<semaphore_mem>>) src(%dma_wait3A_64 : memref<7688xf32, #tpu.memory_space<hbm>>) dst(%dma_wait3A_62 : memref<7688xf32, #tpu.memory_space<vmem>>)
    %parallel_loop3A_65 = arith.constant 0 : i32
    %parallel_loop3A_66 = arith.constant 128 : i32
    %parallel_loop3A_67 = arith.constant 1 : i32
    scf.for %parallel_loop3A_188 = %parallel_loop3A_65 to %parallel_loop3A_66 step %parallel_loop3A_67  : i32 {
      %parallel_loop3A_189 = arith.constant 16 : i32
      %parallel_loop3A_190 = arith.divsi %parallel_loop3A_188, %parallel_loop3A_189 : i32
      %parallel_loop3A_191 = arith.constant 0 : i32
      %parallel_loop3A_192 = arith.cmpi sgt, %parallel_loop3A_188, %parallel_loop3A_191 : i32
      %parallel_loop3A_193 = arith.extui %parallel_loop3A_192 : i1 to i32
      %parallel_loop3A_194 = arith.constant 0 : i32
      %parallel_loop3A_195 = arith.cmpi slt, %parallel_loop3A_188, %parallel_loop3A_194 : i32
      %parallel_loop3A_196 = arith.extui %parallel_loop3A_195 : i1 to i32
      %parallel_loop3A_197 = arith.subi %parallel_loop3A_193, %parallel_loop3A_196 : i32
      %parallel_loop3A_198 = arith.constant 0 : i32
      %parallel_loop3A_199 = arith.cmpi sgt, %parallel_loop3A_189, %parallel_loop3A_198 : i32
      %parallel_loop3A_200 = arith.extui %parallel_loop3A_199 : i1 to i32
      %parallel_loop3A_201 = arith.constant 0 : i32
      %parallel_loop3A_202 = arith.cmpi slt, %parallel_loop3A_189, %parallel_loop3A_201 : i32
      %parallel_loop3A_203 = arith.extui %parallel_loop3A_202 : i1 to i32
      %parallel_loop3A_204 = arith.subi %parallel_loop3A_200, %parallel_loop3A_203 : i32
      %parallel_loop3A_205 = arith.cmpi ne, %parallel_loop3A_197, %parallel_loop3A_204 : i32
      %parallel_loop3A_206 = arith.remsi %parallel_loop3A_188, %parallel_loop3A_189 : i32
      %parallel_loop3A_207 = arith.constant 0 : i32
      %parallel_loop3A_208 = arith.cmpi ne, %parallel_loop3A_206, %parallel_loop3A_207 : i32
      %parallel_loop3A_209 = arith.andi %parallel_loop3A_205, %parallel_loop3A_208 : i1
      %parallel_loop3A_210 = arith.constant 1 : i32
      %parallel_loop3A_211 = arith.subi %parallel_loop3A_190, %parallel_loop3A_210 : i32
      %parallel_loop3A_212 = arith.select %parallel_loop3A_209, %parallel_loop3A_211, %parallel_loop3A_190 : i32
      %parallel_loop3A_213 = arith.constant 16 : i32
      %parallel_loop3A_214 = arith.remsi %parallel_loop3A_188, %parallel_loop3A_213 : i32
      %parallel_loop3A_215 = arith.constant 16 : i32
      %parallel_loop3A_216 = arith.muli %parallel_loop3A_214, %parallel_loop3A_215 : i32
      %parallel_loop3A_217 = arith.index_cast %parallel_loop3A_212 : i32 to index
      %parallel_loop3A_218 = arith.index_cast %parallel_loop3A_216 : i32 to index
      %parallel_loop3A_219 = tpu.vector_load %arg6[%parallel_loop3A_217, %parallel_loop3A_218] {strides = array<i32>} : memref<8x256xi32, #tpu.memory_space<vmem>>, vector<16xi32>,
      %parallel_loop3A_220 = arith.constant 7688 : i32
      %parallel_loop3A_221 = vector.broadcast %parallel_loop3A_220 : i32 to vector<16xi32>
      %parallel_loop3A_222 = arith.addi %parallel_loop3A_219, %parallel_loop3A_221 : vector<16xi32>
      %parallel_loop3A_223 = tpu.vector_load_idx %arg5[%parallel_loop3A_222] : memref<30752xf32, #tpu.memory_space<vmem>>[vector<16xi32>], vector<16xf32>,
      %parallel_loop3A_224 = arith.constant 16 : i32
      %parallel_loop3A_225 = arith.muli %parallel_loop3A_214, %parallel_loop3A_224 : i32
      %parallel_loop3A_226 = arith.constant 8 : i32
      %parallel_loop3A_227 = arith.index_cast %parallel_loop3A_226 : i32 to index
      %parallel_loop3A_228 = arith.index_cast %parallel_loop3A_212 : i32 to index
      %parallel_loop3A_229 = arith.index_cast %parallel_loop3A_225 : i32 to index
      %parallel_loop3A_230 = tpu.vector_load %arg7[%parallel_loop3A_227, %parallel_loop3A_228, %parallel_loop3A_229] {strides = array<i32>} : memref<32x8x256xf32, #tpu.memory_space<vmem>>, vector<16xf32>,
      tpu.vector_store %arg7[%parallel_loop3A_227, %parallel_loop3A_228, %parallel_loop3A_229], %parallel_loop3A_223 {strides = array<i32>} : memref<32x8x256xf32, #tpu.memory_space<vmem>>, vector<16xf32>,
      %parallel_loop3A_231 = arith.constant 8649 : i32
      %parallel_loop3A_232 = vector.broadcast %parallel_loop3A_231 : i32 to vector<16xi32>
      %parallel_loop3A_233 = arith.addi %parallel_loop3A_219, %parallel_loop3A_232 : vector<16xi32>
      %parallel_loop3A_234 = tpu.vector_load_idx %arg5[%parallel_loop3A_233] : memref<30752xf32, #tpu.memory_space<vmem>>[vector<16xi32>], vector<16xf32>,
      %parallel_loop3A_235 = arith.constant 16 : i32
      %parallel_loop3A_236 = arith.muli %parallel_loop3A_214, %parallel_loop3A_235 : i32
      %parallel_loop3A_237 = arith.constant 9 : i32
      %parallel_loop3A_238 = arith.index_cast %parallel_loop3A_237 : i32 to index
      %parallel_loop3A_239 = arith.index_cast %parallel_loop3A_212 : i32 to index
      %parallel_loop3A_240 = arith.index_cast %parallel_loop3A_236 : i32 to index
      %parallel_loop3A_241 = tpu.vector_load %arg7[%parallel_loop3A_238, %parallel_loop3A_239, %parallel_loop3A_240] {strides = array<i32>} : memref<32x8x256xf32, #tpu.memory_space<vmem>>, vector<16xf32>,
      tpu.vector_store %arg7[%parallel_loop3A_238, %parallel_loop3A_239, %parallel_loop3A_240], %parallel_loop3A_234 {strides = array<i32>} : memref<32x8x256xf32, #tpu.memory_space<vmem>>, vector<16xf32>,
      %parallel_loop3A_242 = arith.constant 9610 : i32
      %parallel_loop3A_243 = vector.broadcast %parallel_loop3A_242 : i32 to vector<16xi32>
      %parallel_loop3A_244 = arith.addi %parallel_loop3A_219, %parallel_loop3A_243 : vector<16xi32>
      %parallel_loop3A_245 = tpu.vector_load_idx %arg5[%parallel_loop3A_244] : memref<30752xf32, #tpu.memory_space<vmem>>[vector<16xi32>], vector<16xf32>,
      %parallel_loop3A_246 = arith.constant 16 : i32
      %parallel_loop3A_247 = arith.muli %parallel_loop3A_214, %parallel_loop3A_246 : i32
      %parallel_loop3A_248 = arith.constant 10 : i32
      %parallel_loop3A_249 = arith.index_cast %parallel_loop3A_248 : i32 to index
      %parallel_loop3A_250 = arith.index_cast %parallel_loop3A_212 : i32 to index
      %parallel_loop3A_251 = arith.index_cast %parallel_loop3A_247 : i32 to index
      %parallel_loop3A_252 = tpu.vector_load %arg7[%parallel_loop3A_249, %parallel_loop3A_250, %parallel_loop3A_251] {strides = array<i32>} : memref<32x8x256xf32, #tpu.memory_space<vmem>>, vector<16xf32>,
      tpu.vector_store %arg7[%parallel_loop3A_249, %parallel_loop3A_250, %parallel_loop3A_251], %parallel_loop3A_245 {strides = array<i32>} : memref<32x8x256xf32, #tpu.memory_space<vmem>>, vector<16xf32>,
      %parallel_loop3A_253 = arith.constant 10571 : i32
      %parallel_loop3A_254 = vector.broadcast %parallel_loop3A_253 : i32 to vector<16xi32>
      %parallel_loop3A_255 = arith.addi %parallel_loop3A_219, %parallel_loop3A_254 : vector<16xi32>
      %parallel_loop3A_256 = tpu.vector_load_idx %arg5[%parallel_loop3A_255] : memref<30752xf32, #tpu.memory_space<vmem>>[vector<16xi32>], vector<16xf32>,
      %parallel_loop3A_257 = arith.constant 16 : i32
      %parallel_loop3A_258 = arith.muli %parallel_loop3A_214, %parallel_loop3A_257 : i32
      %parallel_loop3A_259 = arith.constant 11 : i32
      %parallel_loop3A_260 = arith.index_cast %parallel_loop3A_259 : i32 to index
      %parallel_loop3A_261 = arith.index_cast %parallel_loop3A_212 : i32 to index
      %parallel_loop3A_262 = arith.index_cast %parallel_loop3A_258 : i32 to index
      %parallel_loop3A_263 = tpu.vector_load %arg7[%parallel_loop3A_260, %parallel_loop3A_261, %parallel_loop3A_262] {strides = array<i32>} : memref<32x8x256xf32, #tpu.memory_space<vmem>>, vector<16xf32>,
      tpu.vector_store %arg7[%parallel_loop3A_260, %parallel_loop3A_261, %parallel_loop3A_262], %parallel_loop3A_256 {strides = array<i32>} : memref<32x8x256xf32, #tpu.memory_space<vmem>>, vector<16xf32>,
      %parallel_loop3A_264 = arith.constant 11532 : i32
      %parallel_loop3A_265 = vector.broadcast %parallel_loop3A_264 : i32 to vector<16xi32>
      %parallel_loop3A_266 = arith.addi %parallel_loop3A_219, %parallel_loop3A_265 : vector<16xi32>
      %parallel_loop3A_267 = tpu.vector_load_idx %arg5[%parallel_loop3A_266] : memref<30752xf32, #tpu.memory_space<vmem>>[vector<16xi32>], vector<16xf32>,
      %parallel_loop3A_268 = arith.constant 16 : i32
      %parallel_loop3A_269 = arith.muli %parallel_loop3A_214, %parallel_loop3A_268 : i32
      %parallel_loop3A_270 = arith.constant 12 : i32
      %parallel_loop3A_271 = arith.index_cast %parallel_loop3A_270 : i32 to index
      %parallel_loop3A_272 = arith.index_cast %parallel_loop3A_212 : i32 to index
      %parallel_loop3A_273 = arith.index_cast %parallel_loop3A_269 : i32 to index
      %parallel_loop3A_274 = tpu.vector_load %arg7[%parallel_loop3A_271, %parallel_loop3A_272, %parallel_loop3A_273] {strides = array<i32>} : memref<32x8x256xf32, #tpu.memory_space<vmem>>, vector<16xf32>,
      tpu.vector_store %arg7[%parallel_loop3A_271, %parallel_loop3A_272, %parallel_loop3A_273], %parallel_loop3A_267 {strides = array<i32>} : memref<32x8x256xf32, #tpu.memory_space<vmem>>, vector<16xf32>,
      %parallel_loop3A_275 = arith.constant 12493 : i32
      %parallel_loop3A_276 = vector.broadcast %parallel_loop3A_275 : i32 to vector<16xi32>
      %parallel_loop3A_277 = arith.addi %parallel_loop3A_219, %parallel_loop3A_276 : vector<16xi32>
      %parallel_loop3A_278 = tpu.vector_load_idx %arg5[%parallel_loop3A_277] : memref<30752xf32, #tpu.memory_space<vmem>>[vector<16xi32>], vector<16xf32>,
      %parallel_loop3A_279 = arith.constant 16 : i32
      %parallel_loop3A_280 = arith.muli %parallel_loop3A_214, %parallel_loop3A_279 : i32
      %parallel_loop3A_281 = arith.constant 13 : i32
      %parallel_loop3A_282 = arith.index_cast %parallel_loop3A_281 : i32 to index
      %parallel_loop3A_283 = arith.index_cast %parallel_loop3A_212 : i32 to index
      %parallel_loop3A_284 = arith.index_cast %parallel_loop3A_280 : i32 to index
      %parallel_loop3A_285 = tpu.vector_load %arg7[%parallel_loop3A_282, %parallel_loop3A_283, %parallel_loop3A_284] {strides = array<i32>} : memref<32x8x256xf32, #tpu.memory_space<vmem>>, vector<16xf32>,
      tpu.vector_store %arg7[%parallel_loop3A_282, %parallel_loop3A_283, %parallel_loop3A_284], %parallel_loop3A_278 {strides = array<i32>} : memref<32x8x256xf32, #tpu.memory_space<vmem>>, vector<16xf32>,
      %parallel_loop3A_286 = arith.constant 13454 : i32
      %parallel_loop3A_287 = vector.broadcast %parallel_loop3A_286 : i32 to vector<16xi32>
      %parallel_loop3A_288 = arith.addi %parallel_loop3A_219, %parallel_loop3A_287 : vector<16xi32>
      %parallel_loop3A_289 = tpu.vector_load_idx %arg5[%parallel_loop3A_288] : memref<30752xf32, #tpu.memory_space<vmem>>[vector<16xi32>], vector<16xf32>,
      %parallel_loop3A_290 = arith.constant 16 : i32
      %parallel_loop3A_291 = arith.muli %parallel_loop3A_214, %parallel_loop3A_290 : i32
      %parallel_loop3A_292 = arith.constant 14 : i32
      %parallel_loop3A_293 = arith.index_cast %parallel_loop3A_292 : i32 to index
      %parallel_loop3A_294 = arith.index_cast %parallel_loop3A_212 : i32 to index
      %parallel_loop3A_295 = arith.index_cast %parallel_loop3A_291 : i32 to index
      %parallel_loop3A_296 = tpu.vector_load %arg7[%parallel_loop3A_293, %parallel_loop3A_294, %parallel_loop3A_295] {strides = array<i32>} : memref<32x8x256xf32, #tpu.memory_space<vmem>>, vector<16xf32>,
      tpu.vector_store %arg7[%parallel_loop3A_293, %parallel_loop3A_294, %parallel_loop3A_295], %parallel_loop3A_289 {strides = array<i32>} : memref<32x8x256xf32, #tpu.memory_space<vmem>>, vector<16xf32>,
      %parallel_loop3A_297 = arith.constant 14415 : i32
      %parallel_loop3A_298 = vector.broadcast %parallel_loop3A_297 : i32 to vector<16xi32>
      %parallel_loop3A_299 = arith.addi %parallel_loop3A_219, %parallel_loop3A_298 : vector<16xi32>
      %parallel_loop3A_300 = tpu.vector_load_idx %arg5[%parallel_loop3A_299] : memref<30752xf32, #tpu.memory_space<vmem>>[vector<16xi32>], vector<16xf32>,
      %parallel_loop3A_301 = arith.constant 16 : i32
      %parallel_loop3A_302 = arith.muli %parallel_loop3A_214, %parallel_loop3A_301 : i32
      %parallel_loop3A_303 = arith.constant 15 : i32
      %parallel_loop3A_304 = arith.index_cast %parallel_loop3A_303 : i32 to index
      %parallel_loop3A_305 = arith.index_cast %parallel_loop3A_212 : i32 to index
      %parallel_loop3A_306 = arith.index_cast %parallel_loop3A_302 : i32 to index
      %parallel_loop3A_307 = tpu.vector_load %arg7[%parallel_loop3A_304, %parallel_loop3A_305, %parallel_loop3A_306] {strides = array<i32>} : memref<32x8x256xf32, #tpu.memory_space<vmem>>, vector<16xf32>,
      tpu.vector_store %arg7[%parallel_loop3A_304, %parallel_loop3A_305, %parallel_loop3A_306], %parallel_loop3A_300 {strides = array<i32>} : memref<32x8x256xf32, #tpu.memory_space<vmem>>, vector<16xf32>,
    } {sc.loop_unroll_factor = 2 : i64, sc.parallel_access}
    %dma_start3A_68 = arith.constant 8 : i32
    %dma_start3A_69 = arith.constant 0 : i32
    %dma_start3A_70 = arith.constant 0 : i32
    %dma_start3A_71 = tpu.memref_slice %arg7[%dma_start3A_68, %dma_start3A_69, %dma_start3A_70] : memref<32x8x256xf32, #tpu.memory_space<vmem>> -> memref<8x8x256xf32, #tpu.memory_space<vmem>>
    %dma_start3A_72 = arith.constant 8 : i32
    %dma_start3A_73 = arith.constant 0 : i32
    %dma_start3A_74 = tpu.memref_slice %arg4[%dma_start3A_72, %mul3A_2, %dma_start3A_73] : memref<32x256x256xf32, #tpu.memory_space<hbm>> -> memref<8x8x256xf32, #tpu.memory_space<hbm>>
    %dma_start3A_75 = arith.constant 8 : i32
    %dma_start3A_76 = arith.constant 0 : i32
    %dma_start3A_77 = tpu.memref_slice %arg4[%dma_start3A_75, %mul3A_2, %dma_start3A_76] : memref<32x256x256xf32, #tpu.memory_space<hbm>> -> memref<8x8x256xf32, #tpu.memory_space<hbm>>
    %dma_start3A_78 = arith.constant 8 : i32
    %dma_start3A_79 = arith.constant 0 : i32
    %dma_start3A_80 = arith.constant 0 : i32
    %dma_start3A_81 = tpu.memref_slice %arg7[%dma_start3A_78, %dma_start3A_79, %dma_start3A_80] : memref<32x8x256xf32, #tpu.memory_space<vmem>> -> memref<8x8x256xf32, #tpu.memory_space<vmem>>
    tpu.enqueue_dma source(%dma_start3A_81 : memref<8x8x256xf32, #tpu.memory_space<vmem>>) target(%dma_start3A_77 : memref<8x8x256xf32, #tpu.memory_space<hbm>>) target_semaphore(%arg12 : memref<!tpu.dma_semaphore, #tpu.memory_space<semaphore_mem>>)
    %dma_wait3A_82 = arith.constant 15376 : i32
    %dma_wait3A_83 = tpu.memref_slice %arg5[%dma_wait3A_82] : memref<30752xf32, #tpu.memory_space<vmem>> -> memref<7688xf32, #tpu.memory_space<vmem>>
    %dma_wait3A_84 = arith.constant 15376 : i32
    %dma_wait3A_85 = tpu.memref_slice %arg2[%dma_wait3A_84] : memref<30752xf32, #tpu.memory_space<hbm>> -> memref<7688xf32, #tpu.memory_space<hbm>>
    %dma_wait3A_86 = arith.constant 15376 : i32
    %dma_wait3A_87 = tpu.memref_slice %arg5[%dma_wait3A_86] : memref<30752xf32, #tpu.memory_space<vmem>> -> memref<7688xf32, #tpu.memory_space<vmem>>
    %dma_wait3A_88 = arith.constant 15376 : i32
    %dma_wait3A_89 = tpu.memref_slice %arg2[%dma_wait3A_88] : memref<30752xf32, #tpu.memory_space<hbm>> -> memref<7688xf32, #tpu.memory_space<hbm>>
    tpu.wait_dma2 semaphore(%arg10 : memref<!tpu.dma_semaphore, #tpu.memory_space<semaphore_mem>>) src(%dma_wait3A_89 : memref<7688xf32, #tpu.memory_space<hbm>>) dst(%dma_wait3A_87 : memref<7688xf32, #tpu.memory_space<vmem>>)
    %parallel_loop3A_90 = arith.constant 0 : i32
    %parallel_loop3A_91 = arith.constant 128 : i32
    %parallel_loop3A_92 = arith.constant 1 : i32
    scf.for %parallel_loop3A_188 = %parallel_loop3A_90 to %parallel_loop3A_91 step %parallel_loop3A_92  : i32 {
      %parallel_loop3A_189 = arith.constant 16 : i32
      %parallel_loop3A_190 = arith.divsi %parallel_loop3A_188, %parallel_loop3A_189 : i32
      %parallel_loop3A_191 = arith.constant 0 : i32
      %parallel_loop3A_192 = arith.cmpi sgt, %parallel_loop3A_188, %parallel_loop3A_191 : i32
      %parallel_loop3A_193 = arith.extui %parallel_loop3A_192 : i1 to i32
      %parallel_loop3A_194 = arith.constant 0 : i32
      %parallel_loop3A_195 = arith.cmpi slt, %parallel_loop3A_188, %parallel_loop3A_194 : i32
      %parallel_loop3A_196 = arith.extui %parallel_loop3A_195 : i1 to i32
      %parallel_loop3A_197 = arith.subi %parallel_loop3A_193, %parallel_loop3A_196 : i32
      %parallel_loop3A_198 = arith.constant 0 : i32
      %parallel_loop3A_199 = arith.cmpi sgt, %parallel_loop3A_189, %parallel_loop3A_198 : i32
      %parallel_loop3A_200 = arith.extui %parallel_loop3A_199 : i1 to i32
      %parallel_loop3A_201 = arith.constant 0 : i32
      %parallel_loop3A_202 = arith.cmpi slt, %parallel_loop3A_189, %parallel_loop3A_201 : i32
      %parallel_loop3A_203 = arith.extui %parallel_loop3A_202 : i1 to i32
      %parallel_loop3A_204 = arith.subi %parallel_loop3A_200, %parallel_loop3A_203 : i32
      %parallel_loop3A_205 = arith.cmpi ne, %parallel_loop3A_197, %parallel_loop3A_204 : i32
      %parallel_loop3A_206 = arith.remsi %parallel_loop3A_188, %parallel_loop3A_189 : i32
      %parallel_loop3A_207 = arith.constant 0 : i32
      %parallel_loop3A_208 = arith.cmpi ne, %parallel_loop3A_206, %parallel_loop3A_207 : i32
      %parallel_loop3A_209 = arith.andi %parallel_loop3A_205, %parallel_loop3A_208 : i1
      %parallel_loop3A_210 = arith.constant 1 : i32
      %parallel_loop3A_211 = arith.subi %parallel_loop3A_190, %parallel_loop3A_210 : i32
      %parallel_loop3A_212 = arith.select %parallel_loop3A_209, %parallel_loop3A_211, %parallel_loop3A_190 : i32
      %parallel_loop3A_213 = arith.constant 16 : i32
      %parallel_loop3A_214 = arith.remsi %parallel_loop3A_188, %parallel_loop3A_213 : i32
      %parallel_loop3A_215 = arith.constant 16 : i32
      %parallel_loop3A_216 = arith.muli %parallel_loop3A_214, %parallel_loop3A_215 : i32
      %parallel_loop3A_217 = arith.index_cast %parallel_loop3A_212 : i32 to index
      %parallel_loop3A_218 = arith.index_cast %parallel_loop3A_216 : i32 to index
      %parallel_loop3A_219 = tpu.vector_load %arg6[%parallel_loop3A_217, %parallel_loop3A_218] {strides = array<i32>} : memref<8x256xi32, #tpu.memory_space<vmem>>, vector<16xi32>,
      %parallel_loop3A_220 = arith.constant 15376 : i32
      %parallel_loop3A_221 = vector.broadcast %parallel_loop3A_220 : i32 to vector<16xi32>
      %parallel_loop3A_222 = arith.addi %parallel_loop3A_219, %parallel_loop3A_221 : vector<16xi32>
      %parallel_loop3A_223 = tpu.vector_load_idx %arg5[%parallel_loop3A_222] : memref<30752xf32, #tpu.memory_space<vmem>>[vector<16xi32>], vector<16xf32>,
      %parallel_loop3A_224 = arith.constant 16 : i32
      %parallel_loop3A_225 = arith.muli %parallel_loop3A_214, %parallel_loop3A_224 : i32
      %parallel_loop3A_226 = arith.constant 16 : i32
      %parallel_loop3A_227 = arith.index_cast %parallel_loop3A_226 : i32 to index
      %parallel_loop3A_228 = arith.index_cast %parallel_loop3A_212 : i32 to index
      %parallel_loop3A_229 = arith.index_cast %parallel_loop3A_225 : i32 to index
      %parallel_loop3A_230 = tpu.vector_load %arg7[%parallel_loop3A_227, %parallel_loop3A_228, %parallel_loop3A_229] {strides = array<i32>} : memref<32x8x256xf32, #tpu.memory_space<vmem>>, vector<16xf32>,
      tpu.vector_store %arg7[%parallel_loop3A_227, %parallel_loop3A_228, %parallel_loop3A_229], %parallel_loop3A_223 {strides = array<i32>} : memref<32x8x256xf32, #tpu.memory_space<vmem>>, vector<16xf32>,
      %parallel_loop3A_231 = arith.constant 16337 : i32
      %parallel_loop3A_232 = vector.broadcast %parallel_loop3A_231 : i32 to vector<16xi32>
      %parallel_loop3A_233 = arith.addi %parallel_loop3A_219, %parallel_loop3A_232 : vector<16xi32>
      %parallel_loop3A_234 = tpu.vector_load_idx %arg5[%parallel_loop3A_233] : memref<30752xf32, #tpu.memory_space<vmem>>[vector<16xi32>], vector<16xf32>,
      %parallel_loop3A_235 = arith.constant 16 : i32
      %parallel_loop3A_236 = arith.muli %parallel_loop3A_214, %parallel_loop3A_235 : i32
      %parallel_loop3A_237 = arith.constant 17 : i32
      %parallel_loop3A_238 = arith.index_cast %parallel_loop3A_237 : i32 to index
      %parallel_loop3A_239 = arith.index_cast %parallel_loop3A_212 : i32 to index
      %parallel_loop3A_240 = arith.index_cast %parallel_loop3A_236 : i32 to index
      %parallel_loop3A_241 = tpu.vector_load %arg7[%parallel_loop3A_238, %parallel_loop3A_239, %parallel_loop3A_240] {strides = array<i32>} : memref<32x8x256xf32, #tpu.memory_space<vmem>>, vector<16xf32>,
      tpu.vector_store %arg7[%parallel_loop3A_238, %parallel_loop3A_239, %parallel_loop3A_240], %parallel_loop3A_234 {strides = array<i32>} : memref<32x8x256xf32, #tpu.memory_space<vmem>>, vector<16xf32>,
      %parallel_loop3A_242 = arith.constant 17298 : i32
      %parallel_loop3A_243 = vector.broadcast %parallel_loop3A_242 : i32 to vector<16xi32>
      %parallel_loop3A_244 = arith.addi %parallel_loop3A_219, %parallel_loop3A_243 : vector<16xi32>
      %parallel_loop3A_245 = tpu.vector_load_idx %arg5[%parallel_loop3A_244] : memref<30752xf32, #tpu.memory_space<vmem>>[vector<16xi32>], vector<16xf32>,
      %parallel_loop3A_246 = arith.constant 16 : i32
      %parallel_loop3A_247 = arith.muli %parallel_loop3A_214, %parallel_loop3A_246 : i32
      %parallel_loop3A_248 = arith.constant 18 : i32
      %parallel_loop3A_249 = arith.index_cast %parallel_loop3A_248 : i32 to index
      %parallel_loop3A_250 = arith.index_cast %parallel_loop3A_212 : i32 to index
      %parallel_loop3A_251 = arith.index_cast %parallel_loop3A_247 : i32 to index
      %parallel_loop3A_252 = tpu.vector_load %arg7[%parallel_loop3A_249, %parallel_loop3A_250, %parallel_loop3A_251] {strides = array<i32>} : memref<32x8x256xf32, #tpu.memory_space<vmem>>, vector<16xf32>,
      tpu.vector_store %arg7[%parallel_loop3A_249, %parallel_loop3A_250, %parallel_loop3A_251], %parallel_loop3A_245 {strides = array<i32>} : memref<32x8x256xf32, #tpu.memory_space<vmem>>, vector<16xf32>,
      %parallel_loop3A_253 = arith.constant 18259 : i32
      %parallel_loop3A_254 = vector.broadcast %parallel_loop3A_253 : i32 to vector<16xi32>
      %parallel_loop3A_255 = arith.addi %parallel_loop3A_219, %parallel_loop3A_254 : vector<16xi32>
      %parallel_loop3A_256 = tpu.vector_load_idx %arg5[%parallel_loop3A_255] : memref<30752xf32, #tpu.memory_space<vmem>>[vector<16xi32>], vector<16xf32>,
      %parallel_loop3A_257 = arith.constant 16 : i32
      %parallel_loop3A_258 = arith.muli %parallel_loop3A_214, %parallel_loop3A_257 : i32
      %parallel_loop3A_259 = arith.constant 19 : i32
      %parallel_loop3A_260 = arith.index_cast %parallel_loop3A_259 : i32 to index
      %parallel_loop3A_261 = arith.index_cast %parallel_loop3A_212 : i32 to index
      %parallel_loop3A_262 = arith.index_cast %parallel_loop3A_258 : i32 to index
      %parallel_loop3A_263 = tpu.vector_load %arg7[%parallel_loop3A_260, %parallel_loop3A_261, %parallel_loop3A_262] {strides = array<i32>} : memref<32x8x256xf32, #tpu.memory_space<vmem>>, vector<16xf32>,
      tpu.vector_store %arg7[%parallel_loop3A_260, %parallel_loop3A_261, %parallel_loop3A_262], %parallel_loop3A_256 {strides = array<i32>} : memref<32x8x256xf32, #tpu.memory_space<vmem>>, vector<16xf32>,
      %parallel_loop3A_264 = arith.constant 19220 : i32
      %parallel_loop3A_265 = vector.broadcast %parallel_loop3A_264 : i32 to vector<16xi32>
      %parallel_loop3A_266 = arith.addi %parallel_loop3A_219, %parallel_loop3A_265 : vector<16xi32>
      %parallel_loop3A_267 = tpu.vector_load_idx %arg5[%parallel_loop3A_266] : memref<30752xf32, #tpu.memory_space<vmem>>[vector<16xi32>], vector<16xf32>,
      %parallel_loop3A_268 = arith.constant 16 : i32
      %parallel_loop3A_269 = arith.muli %parallel_loop3A_214, %parallel_loop3A_268 : i32
      %parallel_loop3A_270 = arith.constant 20 : i32
      %parallel_loop3A_271 = arith.index_cast %parallel_loop3A_270 : i32 to index
      %parallel_loop3A_272 = arith.index_cast %parallel_loop3A_212 : i32 to index
      %parallel_loop3A_273 = arith.index_cast %parallel_loop3A_269 : i32 to index
      %parallel_loop3A_274 = tpu.vector_load %arg7[%parallel_loop3A_271, %parallel_loop3A_272, %parallel_loop3A_273] {strides = array<i32>} : memref<32x8x256xf32, #tpu.memory_space<vmem>>, vector<16xf32>,
      tpu.vector_store %arg7[%parallel_loop3A_271, %parallel_loop3A_272, %parallel_loop3A_273], %parallel_loop3A_267 {strides = array<i32>} : memref<32x8x256xf32, #tpu.memory_space<vmem>>, vector<16xf32>,
      %parallel_loop3A_275 = arith.constant 20181 : i32
      %parallel_loop3A_276 = vector.broadcast %parallel_loop3A_275 : i32 to vector<16xi32>
      %parallel_loop3A_277 = arith.addi %parallel_loop3A_219, %parallel_loop3A_276 : vector<16xi32>
      %parallel_loop3A_278 = tpu.vector_load_idx %arg5[%parallel_loop3A_277] : memref<30752xf32, #tpu.memory_space<vmem>>[vector<16xi32>], vector<16xf32>,
      %parallel_loop3A_279 = arith.constant 16 : i32
      %parallel_loop3A_280 = arith.muli %parallel_loop3A_214, %parallel_loop3A_279 : i32
      %parallel_loop3A_281 = arith.constant 21 : i32
      %parallel_loop3A_282 = arith.index_cast %parallel_loop3A_281 : i32 to index
      %parallel_loop3A_283 = arith.index_cast %parallel_loop3A_212 : i32 to index
      %parallel_loop3A_284 = arith.index_cast %parallel_loop3A_280 : i32 to index
      %parallel_loop3A_285 = tpu.vector_load %arg7[%parallel_loop3A_282, %parallel_loop3A_283, %parallel_loop3A_284] {strides = array<i32>} : memref<32x8x256xf32, #tpu.memory_space<vmem>>, vector<16xf32>,
      tpu.vector_store %arg7[%parallel_loop3A_282, %parallel_loop3A_283, %parallel_loop3A_284], %parallel_loop3A_278 {strides = array<i32>} : memref<32x8x256xf32, #tpu.memory_space<vmem>>, vector<16xf32>,
      %parallel_loop3A_286 = arith.constant 21142 : i32
      %parallel_loop3A_287 = vector.broadcast %parallel_loop3A_286 : i32 to vector<16xi32>
      %parallel_loop3A_288 = arith.addi %parallel_loop3A_219, %parallel_loop3A_287 : vector<16xi32>
      %parallel_loop3A_289 = tpu.vector_load_idx %arg5[%parallel_loop3A_288] : memref<30752xf32, #tpu.memory_space<vmem>>[vector<16xi32>], vector<16xf32>,
      %parallel_loop3A_290 = arith.constant 16 : i32
      %parallel_loop3A_291 = arith.muli %parallel_loop3A_214, %parallel_loop3A_290 : i32
      %parallel_loop3A_292 = arith.constant 22 : i32
      %parallel_loop3A_293 = arith.index_cast %parallel_loop3A_292 : i32 to index
      %parallel_loop3A_294 = arith.index_cast %parallel_loop3A_212 : i32 to index
      %parallel_loop3A_295 = arith.index_cast %parallel_loop3A_291 : i32 to index
      %parallel_loop3A_296 = tpu.vector_load %arg7[%parallel_loop3A_293, %parallel_loop3A_294, %parallel_loop3A_295] {strides = array<i32>} : memref<32x8x256xf32, #tpu.memory_space<vmem>>, vector<16xf32>,
      tpu.vector_store %arg7[%parallel_loop3A_293, %parallel_loop3A_294, %parallel_loop3A_295], %parallel_loop3A_289 {strides = array<i32>} : memref<32x8x256xf32, #tpu.memory_space<vmem>>, vector<16xf32>,
      %parallel_loop3A_297 = arith.constant 22103 : i32
      %parallel_loop3A_298 = vector.broadcast %parallel_loop3A_297 : i32 to vector<16xi32>
      %parallel_loop3A_299 = arith.addi %parallel_loop3A_219, %parallel_loop3A_298 : vector<16xi32>
      %parallel_loop3A_300 = tpu.vector_load_idx %arg5[%parallel_loop3A_299] : memref<30752xf32, #tpu.memory_space<vmem>>[vector<16xi32>], vector<16xf32>,
      %parallel_loop3A_301 = arith.constant 16 : i32
      %parallel_loop3A_302 = arith.muli %parallel_loop3A_214, %parallel_loop3A_301 : i32
      %parallel_loop3A_303 = arith.constant 23 : i32
      %parallel_loop3A_304 = arith.index_cast %parallel_loop3A_303 : i32 to index
      %parallel_loop3A_305 = arith.index_cast %parallel_loop3A_212 : i32 to index
      %parallel_loop3A_306 = arith.index_cast %parallel_loop3A_302 : i32 to index
      %parallel_loop3A_307 = tpu.vector_load %arg7[%parallel_loop3A_304, %parallel_loop3A_305, %parallel_loop3A_306] {strides = array<i32>} : memref<32x8x256xf32, #tpu.memory_space<vmem>>, vector<16xf32>,
      tpu.vector_store %arg7[%parallel_loop3A_304, %parallel_loop3A_305, %parallel_loop3A_306], %parallel_loop3A_300 {strides = array<i32>} : memref<32x8x256xf32, #tpu.memory_space<vmem>>, vector<16xf32>,
    } {sc.loop_unroll_factor = 2 : i64, sc.parallel_access}
    %dma_start3A_93 = arith.constant 16 : i32
    %dma_start3A_94 = arith.constant 0 : i32
    %dma_start3A_95 = arith.constant 0 : i32
    %dma_start3A_96 = tpu.memref_slice %arg7[%dma_start3A_93, %dma_start3A_94, %dma_start3A_95] : memref<32x8x256xf32, #tpu.memory_space<vmem>> -> memref<8x8x256xf32, #tpu.memory_space<vmem>>
    %dma_start3A_97 = arith.constant 16 : i32
    %dma_start3A_98 = arith.constant 0 : i32
    %dma_start3A_99 = tpu.memref_slice %arg4[%dma_start3A_97, %mul3A_2, %dma_start3A_98] : memref<32x256x256xf32, #tpu.memory_space<hbm>> -> memref<8x8x256xf32, #tpu.memory_space<hbm>>
    %dma_start3A_100 = arith.constant 16 : i32
    %dma_start3A_101 = arith.constant 0 : i32
    %dma_start3A_102 = tpu.memref_slice %arg4[%dma_start3A_100, %mul3A_2, %dma_start3A_101] : memref<32x256x256xf32, #tpu.memory_space<hbm>> -> memref<8x8x256xf32, #tpu.memory_space<hbm>>
    %dma_start3A_103 = arith.constant 16 : i32
    %dma_start3A_104 = arith.constant 0 : i32
    %dma_start3A_105 = arith.constant 0 : i32
    %dma_start3A_106 = tpu.memref_slice %arg7[%dma_start3A_103, %dma_start3A_104, %dma_start3A_105] : memref<32x8x256xf32, #tpu.memory_space<vmem>> -> memref<8x8x256xf32, #tpu.memory_space<vmem>>
    tpu.enqueue_dma source(%dma_start3A_106 : memref<8x8x256xf32, #tpu.memory_space<vmem>>) target(%dma_start3A_102 : memref<8x8x256xf32, #tpu.memory_space<hbm>>) target_semaphore(%arg12 : memref<!tpu.dma_semaphore, #tpu.memory_space<semaphore_mem>>)
    %dma_wait3A_107 = arith.constant 23064 : i32
    %dma_wait3A_108 = tpu.memref_slice %arg5[%dma_wait3A_107] : memref<30752xf32, #tpu.memory_space<vmem>> -> memref<7688xf32, #tpu.memory_space<vmem>>
    %dma_wait3A_109 = arith.constant 23064 : i32
    %dma_wait3A_110 = tpu.memref_slice %arg2[%dma_wait3A_109] : memref<30752xf32, #tpu.memory_space<hbm>> -> memref<7688xf32, #tpu.memory_space<hbm>>
    %dma_wait3A_111 = arith.constant 23064 : i32
    %dma_wait3A_112 = tpu.memref_slice %arg5[%dma_wait3A_111] : memref<30752xf32, #tpu.memory_space<vmem>> -> memref<7688xf32, #tpu.memory_space<vmem>>
    %dma_wait3A_113 = arith.constant 23064 : i32
    %dma_wait3A_114 = tpu.memref_slice %arg2[%dma_wait3A_113] : memref<30752xf32, #tpu.memory_space<hbm>> -> memref<7688xf32, #tpu.memory_space<hbm>>
    tpu.wait_dma2 semaphore(%arg11 : memref<!tpu.dma_semaphore, #tpu.memory_space<semaphore_mem>>) src(%dma_wait3A_114 : memref<7688xf32, #tpu.memory_space<hbm>>) dst(%dma_wait3A_112 : memref<7688xf32, #tpu.memory_space<vmem>>)
    %parallel_loop3A_115 = arith.constant 0 : i32
    %parallel_loop3A_116 = arith.constant 128 : i32
    %parallel_loop3A_117 = arith.constant 1 : i32
    scf.for %parallel_loop3A_188 = %parallel_loop3A_115 to %parallel_loop3A_116 step %parallel_loop3A_117  : i32 {
      %parallel_loop3A_189 = arith.constant 16 : i32
      %parallel_loop3A_190 = arith.divsi %parallel_loop3A_188, %parallel_loop3A_189 : i32
      %parallel_loop3A_191 = arith.constant 0 : i32
      %parallel_loop3A_192 = arith.cmpi sgt, %parallel_loop3A_188, %parallel_loop3A_191 : i32
      %parallel_loop3A_193 = arith.extui %parallel_loop3A_192 : i1 to i32
      %parallel_loop3A_194 = arith.constant 0 : i32
      %parallel_loop3A_195 = arith.cmpi slt, %parallel_loop3A_188, %parallel_loop3A_194 : i32
      %parallel_loop3A_196 = arith.extui %parallel_loop3A_195 : i1 to i32
      %parallel_loop3A_197 = arith.subi %parallel_loop3A_193, %parallel_loop3A_196 : i32
      %parallel_loop3A_198 = arith.constant 0 : i32
      %parallel_loop3A_199 = arith.cmpi sgt, %parallel_loop3A_189, %parallel_loop3A_198 : i32
      %parallel_loop3A_200 = arith.extui %parallel_loop3A_199 : i1 to i32
      %parallel_loop3A_201 = arith.constant 0 : i32
      %parallel_loop3A_202 = arith.cmpi slt, %parallel_loop3A_189, %parallel_loop3A_201 : i32
      %parallel_loop3A_203 = arith.extui %parallel_loop3A_202 : i1 to i32
      %parallel_loop3A_204 = arith.subi %parallel_loop3A_200, %parallel_loop3A_203 : i32
      %parallel_loop3A_205 = arith.cmpi ne, %parallel_loop3A_197, %parallel_loop3A_204 : i32
      %parallel_loop3A_206 = arith.remsi %parallel_loop3A_188, %parallel_loop3A_189 : i32
      %parallel_loop3A_207 = arith.constant 0 : i32
      %parallel_loop3A_208 = arith.cmpi ne, %parallel_loop3A_206, %parallel_loop3A_207 : i32
      %parallel_loop3A_209 = arith.andi %parallel_loop3A_205, %parallel_loop3A_208 : i1
      %parallel_loop3A_210 = arith.constant 1 : i32
      %parallel_loop3A_211 = arith.subi %parallel_loop3A_190, %parallel_loop3A_210 : i32
      %parallel_loop3A_212 = arith.select %parallel_loop3A_209, %parallel_loop3A_211, %parallel_loop3A_190 : i32
      %parallel_loop3A_213 = arith.constant 16 : i32
      %parallel_loop3A_214 = arith.remsi %parallel_loop3A_188, %parallel_loop3A_213 : i32
      %parallel_loop3A_215 = arith.constant 16 : i32
      %parallel_loop3A_216 = arith.muli %parallel_loop3A_214, %parallel_loop3A_215 : i32
      %parallel_loop3A_217 = arith.index_cast %parallel_loop3A_212 : i32 to index
      %parallel_loop3A_218 = arith.index_cast %parallel_loop3A_216 : i32 to index
      %parallel_loop3A_219 = tpu.vector_load %arg6[%parallel_loop3A_217, %parallel_loop3A_218] {strides = array<i32>} : memref<8x256xi32, #tpu.memory_space<vmem>>, vector<16xi32>,
      %parallel_loop3A_220 = arith.constant 23064 : i32
      %parallel_loop3A_221 = vector.broadcast %parallel_loop3A_220 : i32 to vector<16xi32>
      %parallel_loop3A_222 = arith.addi %parallel_loop3A_219, %parallel_loop3A_221 : vector<16xi32>
      %parallel_loop3A_223 = tpu.vector_load_idx %arg5[%parallel_loop3A_222] : memref<30752xf32, #tpu.memory_space<vmem>>[vector<16xi32>], vector<16xf32>,
      %parallel_loop3A_224 = arith.constant 16 : i32
      %parallel_loop3A_225 = arith.muli %parallel_loop3A_214, %parallel_loop3A_224 : i32
      %parallel_loop3A_226 = arith.constant 24 : i32
      %parallel_loop3A_227 = arith.index_cast %parallel_loop3A_226 : i32 to index
      %parallel_loop3A_228 = arith.index_cast %parallel_loop3A_212 : i32 to index
      %parallel_loop3A_229 = arith.index_cast %parallel_loop3A_225 : i32 to index
      %parallel_loop3A_230 = tpu.vector_load %arg7[%parallel_loop3A_227, %parallel_loop3A_228, %parallel_loop3A_229] {strides = array<i32>} : memref<32x8x256xf32, #tpu.memory_space<vmem>>, vector<16xf32>,
      tpu.vector_store %arg7[%parallel_loop3A_227, %parallel_loop3A_228, %parallel_loop3A_229], %parallel_loop3A_223 {strides = array<i32>} : memref<32x8x256xf32, #tpu.memory_space<vmem>>, vector<16xf32>,
      %parallel_loop3A_231 = arith.constant 24025 : i32
      %parallel_loop3A_232 = vector.broadcast %parallel_loop3A_231 : i32 to vector<16xi32>
      %parallel_loop3A_233 = arith.addi %parallel_loop3A_219, %parallel_loop3A_232 : vector<16xi32>
      %parallel_loop3A_234 = tpu.vector_load_idx %arg5[%parallel_loop3A_233] : memref<30752xf32, #tpu.memory_space<vmem>>[vector<16xi32>], vector<16xf32>,
      %parallel_loop3A_235 = arith.constant 16 : i32
      %parallel_loop3A_236 = arith.muli %parallel_loop3A_214, %parallel_loop3A_235 : i32
      %parallel_loop3A_237 = arith.constant 25 : i32
      %parallel_loop3A_238 = arith.index_cast %parallel_loop3A_237 : i32 to index
      %parallel_loop3A_239 = arith.index_cast %parallel_loop3A_212 : i32 to index
      %parallel_loop3A_240 = arith.index_cast %parallel_loop3A_236 : i32 to index
      %parallel_loop3A_241 = tpu.vector_load %arg7[%parallel_loop3A_238, %parallel_loop3A_239, %parallel_loop3A_240] {strides = array<i32>} : memref<32x8x256xf32, #tpu.memory_space<vmem>>, vector<16xf32>,
      tpu.vector_store %arg7[%parallel_loop3A_238, %parallel_loop3A_239, %parallel_loop3A_240], %parallel_loop3A_234 {strides = array<i32>} : memref<32x8x256xf32, #tpu.memory_space<vmem>>, vector<16xf32>,
      %parallel_loop3A_242 = arith.constant 24986 : i32
      %parallel_loop3A_243 = vector.broadcast %parallel_loop3A_242 : i32 to vector<16xi32>
      %parallel_loop3A_244 = arith.addi %parallel_loop3A_219, %parallel_loop3A_243 : vector<16xi32>
      %parallel_loop3A_245 = tpu.vector_load_idx %arg5[%parallel_loop3A_244] : memref<30752xf32, #tpu.memory_space<vmem>>[vector<16xi32>], vector<16xf32>,
      %parallel_loop3A_246 = arith.constant 16 : i32
      %parallel_loop3A_247 = arith.muli %parallel_loop3A_214, %parallel_loop3A_246 : i32
      %parallel_loop3A_248 = arith.constant 26 : i32
      %parallel_loop3A_249 = arith.index_cast %parallel_loop3A_248 : i32 to index
      %parallel_loop3A_250 = arith.index_cast %parallel_loop3A_212 : i32 to index
      %parallel_loop3A_251 = arith.index_cast %parallel_loop3A_247 : i32 to index
      %parallel_loop3A_252 = tpu.vector_load %arg7[%parallel_loop3A_249, %parallel_loop3A_250, %parallel_loop3A_251] {strides = array<i32>} : memref<32x8x256xf32, #tpu.memory_space<vmem>>, vector<16xf32>,
      tpu.vector_store %arg7[%parallel_loop3A_249, %parallel_loop3A_250, %parallel_loop3A_251], %parallel_loop3A_245 {strides = array<i32>} : memref<32x8x256xf32, #tpu.memory_space<vmem>>, vector<16xf32>,
      %parallel_loop3A_253 = arith.constant 25947 : i32
      %parallel_loop3A_254 = vector.broadcast %parallel_loop3A_253 : i32 to vector<16xi32>
      %parallel_loop3A_255 = arith.addi %parallel_loop3A_219, %parallel_loop3A_254 : vector<16xi32>
      %parallel_loop3A_256 = tpu.vector_load_idx %arg5[%parallel_loop3A_255] : memref<30752xf32, #tpu.memory_space<vmem>>[vector<16xi32>], vector<16xf32>,
      %parallel_loop3A_257 = arith.constant 16 : i32
      %parallel_loop3A_258 = arith.muli %parallel_loop3A_214, %parallel_loop3A_257 : i32
      %parallel_loop3A_259 = arith.constant 27 : i32
      %parallel_loop3A_260 = arith.index_cast %parallel_loop3A_259 : i32 to index
      %parallel_loop3A_261 = arith.index_cast %parallel_loop3A_212 : i32 to index
      %parallel_loop3A_262 = arith.index_cast %parallel_loop3A_258 : i32 to index
      %parallel_loop3A_263 = tpu.vector_load %arg7[%parallel_loop3A_260, %parallel_loop3A_261, %parallel_loop3A_262] {strides = array<i32>} : memref<32x8x256xf32, #tpu.memory_space<vmem>>, vector<16xf32>,
      tpu.vector_store %arg7[%parallel_loop3A_260, %parallel_loop3A_261, %parallel_loop3A_262], %parallel_loop3A_256 {strides = array<i32>} : memref<32x8x256xf32, #tpu.memory_space<vmem>>, vector<16xf32>,
      %parallel_loop3A_264 = arith.constant 26908 : i32
      %parallel_loop3A_265 = vector.broadcast %parallel_loop3A_264 : i32 to vector<16xi32>
      %parallel_loop3A_266 = arith.addi %parallel_loop3A_219, %parallel_loop3A_265 : vector<16xi32>
      %parallel_loop3A_267 = tpu.vector_load_idx %arg5[%parallel_loop3A_266] : memref<30752xf32, #tpu.memory_space<vmem>>[vector<16xi32>], vector<16xf32>,
      %parallel_loop3A_268 = arith.constant 16 : i32
      %parallel_loop3A_269 = arith.muli %parallel_loop3A_214, %parallel_loop3A_268 : i32
      %parallel_loop3A_270 = arith.constant 28 : i32
      %parallel_loop3A_271 = arith.index_cast %parallel_loop3A_270 : i32 to index
      %parallel_loop3A_272 = arith.index_cast %parallel_loop3A_212 : i32 to index
      %parallel_loop3A_273 = arith.index_cast %parallel_loop3A_269 : i32 to index
      %parallel_loop3A_274 = tpu.vector_load %arg7[%parallel_loop3A_271, %parallel_loop3A_272, %parallel_loop3A_273] {strides = array<i32>} : memref<32x8x256xf32, #tpu.memory_space<vmem>>, vector<16xf32>,
      tpu.vector_store %arg7[%parallel_loop3A_271, %parallel_loop3A_272, %parallel_loop3A_273], %parallel_loop3A_267 {strides = array<i32>} : memref<32x8x256xf32, #tpu.memory_space<vmem>>, vector<16xf32>,
      %parallel_loop3A_275 = arith.constant 27869 : i32
      %parallel_loop3A_276 = vector.broadcast %parallel_loop3A_275 : i32 to vector<16xi32>
      %parallel_loop3A_277 = arith.addi %parallel_loop3A_219, %parallel_loop3A_276 : vector<16xi32>
      %parallel_loop3A_278 = tpu.vector_load_idx %arg5[%parallel_loop3A_277] : memref<30752xf32, #tpu.memory_space<vmem>>[vector<16xi32>], vector<16xf32>,
      %parallel_loop3A_279 = arith.constant 16 : i32
      %parallel_loop3A_280 = arith.muli %parallel_loop3A_214, %parallel_loop3A_279 : i32
      %parallel_loop3A_281 = arith.constant 29 : i32
      %parallel_loop3A_282 = arith.index_cast %parallel_loop3A_281 : i32 to index
      %parallel_loop3A_283 = arith.index_cast %parallel_loop3A_212 : i32 to index
      %parallel_loop3A_284 = arith.index_cast %parallel_loop3A_280 : i32 to index
      %parallel_loop3A_285 = tpu.vector_load %arg7[%parallel_loop3A_282, %parallel_loop3A_283, %parallel_loop3A_284] {strides = array<i32>} : memref<32x8x256xf32, #tpu.memory_space<vmem>>, vector<16xf32>,
      tpu.vector_store %arg7[%parallel_loop3A_282, %parallel_loop3A_283, %parallel_loop3A_284], %parallel_loop3A_278 {strides = array<i32>} : memref<32x8x256xf32, #tpu.memory_space<vmem>>, vector<16xf32>,
      %parallel_loop3A_286 = arith.constant 28830 : i32
      %parallel_loop3A_287 = vector.broadcast %parallel_loop3A_286 : i32 to vector<16xi32>
      %parallel_loop3A_288 = arith.addi %parallel_loop3A_219, %parallel_loop3A_287 : vector<16xi32>
      %parallel_loop3A_289 = tpu.vector_load_idx %arg5[%parallel_loop3A_288] : memref<30752xf32, #tpu.memory_space<vmem>>[vector<16xi32>], vector<16xf32>,
      %parallel_loop3A_290 = arith.constant 16 : i32
      %parallel_loop3A_291 = arith.muli %parallel_loop3A_214, %parallel_loop3A_290 : i32
      %parallel_loop3A_292 = arith.constant 30 : i32
      %parallel_loop3A_293 = arith.index_cast %parallel_loop3A_292 : i32 to index
      %parallel_loop3A_294 = arith.index_cast %parallel_loop3A_212 : i32 to index
      %parallel_loop3A_295 = arith.index_cast %parallel_loop3A_291 : i32 to index
      %parallel_loop3A_296 = tpu.vector_load %arg7[%parallel_loop3A_293, %parallel_loop3A_294, %parallel_loop3A_295] {strides = array<i32>} : memref<32x8x256xf32, #tpu.memory_space<vmem>>, vector<16xf32>,
      tpu.vector_store %arg7[%parallel_loop3A_293, %parallel_loop3A_294, %parallel_loop3A_295], %parallel_loop3A_289 {strides = array<i32>} : memref<32x8x256xf32, #tpu.memory_space<vmem>>, vector<16xf32>,
      %parallel_loop3A_297 = arith.constant 29791 : i32
      %parallel_loop3A_298 = vector.broadcast %parallel_loop3A_297 : i32 to vector<16xi32>
      %parallel_loop3A_299 = arith.addi %parallel_loop3A_219, %parallel_loop3A_298 : vector<16xi32>
      %parallel_loop3A_300 = tpu.vector_load_idx %arg5[%parallel_loop3A_299] : memref<30752xf32, #tpu.memory_space<vmem>>[vector<16xi32>], vector<16xf32>,
      %parallel_loop3A_301 = arith.constant 16 : i32
      %parallel_loop3A_302 = arith.muli %parallel_loop3A_214, %parallel_loop3A_301 : i32
      %parallel_loop3A_303 = arith.constant 31 : i32
      %parallel_loop3A_304 = arith.index_cast %parallel_loop3A_303 : i32 to index
      %parallel_loop3A_305 = arith.index_cast %parallel_loop3A_212 : i32 to index
      %parallel_loop3A_306 = arith.index_cast %parallel_loop3A_302 : i32 to index
      %parallel_loop3A_307 = tpu.vector_load %arg7[%parallel_loop3A_304, %parallel_loop3A_305, %parallel_loop3A_306] {strides = array<i32>} : memref<32x8x256xf32, #tpu.memory_space<vmem>>, vector<16xf32>,
      tpu.vector_store %arg7[%parallel_loop3A_304, %parallel_loop3A_305, %parallel_loop3A_306], %parallel_loop3A_300 {strides = array<i32>} : memref<32x8x256xf32, #tpu.memory_space<vmem>>, vector<16xf32>,
    } {sc.loop_unroll_factor = 2 : i64, sc.parallel_access}
    %dma_start3A_118 = arith.constant 24 : i32
    %dma_start3A_119 = arith.constant 0 : i32
    %dma_start3A_120 = arith.constant 0 : i32
    %dma_start3A_121 = tpu.memref_slice %arg7[%dma_start3A_118, %dma_start3A_119, %dma_start3A_120] : memref<32x8x256xf32, #tpu.memory_space<vmem>> -> memref<8x8x256xf32, #tpu.memory_space<vmem>>
    %dma_start3A_122 = arith.constant 24 : i32
    %dma_start3A_123 = arith.constant 0 : i32
    %dma_start3A_124 = tpu.memref_slice %arg4[%dma_start3A_122, %mul3A_2, %dma_start3A_123] : memref<32x256x256xf32, #tpu.memory_space<hbm>> -> memref<8x8x256xf32, #tpu.memory_space<hbm>>
    %dma_start3A_125 = arith.constant 24 : i32
    %dma_start3A_126 = arith.constant 0 : i32
    %dma_start3A_127 = tpu.memref_slice %arg4[%dma_start3A_125, %mul3A_2, %dma_start3A_126] : memref<32x256x256xf32, #tpu.memory_space<hbm>> -> memref<8x8x256xf32, #tpu.memory_space<hbm>>
    %dma_start3A_128 = arith.constant 24 : i32
    %dma_start3A_129 = arith.constant 0 : i32
    %dma_start3A_130 = arith.constant 0 : i32
    %dma_start3A_131 = tpu.memref_slice %arg7[%dma_start3A_128, %dma_start3A_129, %dma_start3A_130] : memref<32x8x256xf32, #tpu.memory_space<vmem>> -> memref<8x8x256xf32, #tpu.memory_space<vmem>>
    tpu.enqueue_dma source(%dma_start3A_131 : memref<8x8x256xf32, #tpu.memory_space<vmem>>) target(%dma_start3A_127 : memref<8x8x256xf32, #tpu.memory_space<hbm>>) target_semaphore(%arg12 : memref<!tpu.dma_semaphore, #tpu.memory_space<semaphore_mem>>)
    %dma_wait3A_132 = arith.constant 0 : i32
    %dma_wait3A_133 = arith.constant 0 : i32
    %dma_wait3A_134 = arith.constant 0 : i32
    %dma_wait3A_135 = tpu.memref_slice %arg7[%dma_wait3A_132, %dma_wait3A_133, %dma_wait3A_134] : memref<32x8x256xf32, #tpu.memory_space<vmem>> -> memref<8x8x256xf32, #tpu.memory_space<vmem>>
    %dma_wait3A_136 = arith.constant 0 : i32
    %dma_wait3A_137 = arith.constant 0 : i32
    %dma_wait3A_138 = tpu.memref_slice %arg4[%dma_wait3A_136, %mul3A_2, %dma_wait3A_137] : memref<32x256x256xf32, #tpu.memory_space<hbm>> -> memref<8x8x256xf32, #tpu.memory_space<hbm>>
    %dma_wait3A_139 = arith.constant 0 : i32
    %dma_wait3A_140 = arith.constant 0 : i32
    %dma_wait3A_141 = tpu.memref_slice %arg4[%dma_wait3A_139, %mul3A_2, %dma_wait3A_140] : memref<32x256x256xf32, #tpu.memory_space<hbm>> -> memref<8x8x256xf32, #tpu.memory_space<hbm>>
    %dma_wait3A_142 = arith.constant 0 : i32
    %dma_wait3A_143 = arith.constant 0 : i32
    %dma_wait3A_144 = arith.constant 0 : i32
    %dma_wait3A_145 = tpu.memref_slice %arg7[%dma_wait3A_142, %dma_wait3A_143, %dma_wait3A_144] : memref<32x8x256xf32, #tpu.memory_space<vmem>> -> memref<8x8x256xf32, #tpu.memory_space<vmem>>
    tpu.wait_dma2 semaphore(%arg12 : memref<!tpu.dma_semaphore, #tpu.memory_space<semaphore_mem>>) src(%dma_wait3A_145 : memref<8x8x256xf32, #tpu.memory_space<vmem>>) dst(%dma_wait3A_141 : memref<8x8x256xf32, #tpu.memory_space<hbm>>)
    %dma_wait3A_146 = arith.constant 8 : i32
    %dma_wait3A_147 = arith.constant 0 : i32
    %dma_wait3A_148 = arith.constant 0 : i32
    %dma_wait3A_149 = tpu.memref_slice %arg7[%dma_wait3A_146, %dma_wait3A_147, %dma_wait3A_148] : memref<32x8x256xf32, #tpu.memory_space<vmem>> -> memref<8x8x256xf32, #tpu.memory_space<vmem>>
    %dma_wait3A_150 = arith.constant 8 : i32
    %dma_wait3A_151 = arith.constant 0 : i32
    %dma_wait3A_152 = tpu.memref_slice %arg4[%dma_wait3A_150, %mul3A_2, %dma_wait3A_151] : memref<32x256x256xf32, #tpu.memory_space<hbm>> -> memref<8x8x256xf32, #tpu.memory_space<hbm>>
    %dma_wait3A_153 = arith.constant 8 : i32
    %dma_wait3A_154 = arith.constant 0 : i32
    %dma_wait3A_155 = tpu.memref_slice %arg4[%dma_wait3A_153, %mul3A_2, %dma_wait3A_154] : memref<32x256x256xf32, #tpu.memory_space<hbm>> -> memref<8x8x256xf32, #tpu.memory_space<hbm>>
    %dma_wait3A_156 = arith.constant 8 : i32
    %dma_wait3A_157 = arith.constant 0 : i32
    %dma_wait3A_158 = arith.constant 0 : i32
    %dma_wait3A_159 = tpu.memref_slice %arg7[%dma_wait3A_156, %dma_wait3A_157, %dma_wait3A_158] : memref<32x8x256xf32, #tpu.memory_space<vmem>> -> memref<8x8x256xf32, #tpu.memory_space<vmem>>
    tpu.wait_dma2 semaphore(%arg12 : memref<!tpu.dma_semaphore, #tpu.memory_space<semaphore_mem>>) src(%dma_wait3A_159 : memref<8x8x256xf32, #tpu.memory_space<vmem>>) dst(%dma_wait3A_155 : memref<8x8x256xf32, #tpu.memory_space<hbm>>)
    %dma_wait3A_160 = arith.constant 16 : i32
    %dma_wait3A_161 = arith.constant 0 : i32
    %dma_wait3A_162 = arith.constant 0 : i32
    %dma_wait3A_163 = tpu.memref_slice %arg7[%dma_wait3A_160, %dma_wait3A_161, %dma_wait3A_162] : memref<32x8x256xf32, #tpu.memory_space<vmem>> -> memref<8x8x256xf32, #tpu.memory_space<vmem>>
    %dma_wait3A_164 = arith.constant 16 : i32
    %dma_wait3A_165 = arith.constant 0 : i32
    %dma_wait3A_166 = tpu.memref_slice %arg4[%dma_wait3A_164, %mul3A_2, %dma_wait3A_165] : memref<32x256x256xf32, #tpu.memory_space<hbm>> -> memref<8x8x256xf32, #tpu.memory_space<hbm>>
    %dma_wait3A_167 = arith.constant 16 : i32
    %dma_wait3A_168 = arith.constant 0 : i32
    %dma_wait3A_169 = tpu.memref_slice %arg4[%dma_wait3A_167, %mul3A_2, %dma_wait3A_168] : memref<32x256x256xf32, #tpu.memory_space<hbm>> -> memref<8x8x256xf32, #tpu.memory_space<hbm>>
    %dma_wait3A_170 = arith.constant 16 : i32
    %dma_wait3A_171 = arith.constant 0 : i32
    %dma_wait3A_172 = arith.constant 0 : i32
    %dma_wait3A_173 = tpu.memref_slice %arg7[%dma_wait3A_170, %dma_wait3A_171, %dma_wait3A_172] : memref<32x8x256xf32, #tpu.memory_space<vmem>> -> memref<8x8x256xf32, #tpu.memory_space<vmem>>
    tpu.wait_dma2 semaphore(%arg12 : memref<!tpu.dma_semaphore, #tpu.memory_space<semaphore_mem>>) src(%dma_wait3A_173 : memref<8x8x256xf32, #tpu.memory_space<vmem>>) dst(%dma_wait3A_169 : memref<8x8x256xf32, #tpu.memory_space<hbm>>)
    %dma_wait3A_174 = arith.constant 24 : i32
    %dma_wait3A_175 = arith.constant 0 : i32
    %dma_wait3A_176 = arith.constant 0 : i32
    %dma_wait3A_177 = tpu.memref_slice %arg7[%dma_wait3A_174, %dma_wait3A_175, %dma_wait3A_176] : memref<32x8x256xf32, #tpu.memory_space<vmem>> -> memref<8x8x256xf32, #tpu.memory_space<vmem>>
    %dma_wait3A_178 = arith.constant 24 : i32
    %dma_wait3A_179 = arith.constant 0 : i32
    %dma_wait3A_180 = tpu.memref_slice %arg4[%dma_wait3A_178, %mul3A_2, %dma_wait3A_179] : memref<32x256x256xf32, #tpu.memory_space<hbm>> -> memref<8x8x256xf32, #tpu.memory_space<hbm>>
    %dma_wait3A_181 = arith.constant 24 : i32
    %dma_wait3A_182 = arith.constant 0 : i32
    %dma_wait3A_183 = tpu.memref_slice %arg4[%dma_wait3A_181, %mul3A_2, %dma_wait3A_182] : memref<32x256x256xf32, #tpu.memory_space<hbm>> -> memref<8x8x256xf32, #tpu.memory_space<hbm>>
    %dma_wait3A_184 = arith.constant 24 : i32
    %dma_wait3A_185 = arith.constant 0 : i32
    %dma_wait3A_186 = arith.constant 0 : i32
    %dma_wait3A_187 = tpu.memref_slice %arg7[%dma_wait3A_184, %dma_wait3A_185, %dma_wait3A_186] : memref<32x8x256xf32, #tpu.memory_space<vmem>> -> memref<8x8x256xf32, #tpu.memory_space<vmem>>
    tpu.wait_dma2 semaphore(%arg12 : memref<!tpu.dma_semaphore, #tpu.memory_space<semaphore_mem>>) src(%dma_wait3A_187 : memref<8x8x256xf32, #tpu.memory_space<vmem>>) dst(%dma_wait3A_183 : memref<8x8x256xf32, #tpu.memory_space<hbm>>)
    return
  }
}

</mosaic_0001>

<sc_bundles>
// kernel: kernel.3.cloned.1.call-start
scs
__scs_entry_jumppad:
0x0: {  	(pc) =	sbr.rel $0x88, $3  }
0x1: {  	(tag) =	ssettag $0x0;
	lr =	simm.s32 $0x1  }
0x2: {  	[smem:$0x3F9F] =	sst lr;
	_ =	strace $0xD0000000  }
0x3: {  	_ = 	snop  }
0x4: {  	_ = 	snop  }
0x5: {  	_ = 	snop  }
0x6: {  	_ = 	snop  }
0x7: {  	_ = 	snop  }
__scs_overlays_trampoline_lowered:
0x8: {  	[smem:$0x3FAE] =	sst s0  }
0x9: {  	[smem:$0x3FAF] =	sst s1  }
0xa: {  	[smem:$0x3FB0] =	sst s2  }
0xb: {  	[smem:$0x3FB1] =	sst s3  }
0xc: {  	[smem:$0x3FB2] =	sst s4  }
0xd: {  	[smem:$0x3FB3] =	sst s5  }
0xe: {  	[smem:$0x3FB4] =	sst s6  }
0xf: {  	[smem:$0x3FB5] =	sst s7  }
0x10: {  	[smem:$0x3FB6] =	sst s8  }
0x11: {  	[smem:$0x3FB7] =	sst s9;
	s0 =	simm.s32 @!p0 $0x0  }
0x12: {  	s1 =	sld [smem:$0x3F9D];
	s0 =	simm.s32 @p0 $0x1  }
0x13: {  	[smem:$0x3FB8] =	sst s0;
	s0 =	simm.s32 @!p1 $0x0  }
0x14: {  	s2 =	sld [smem:$0x3F9C];
	s0 =	simm.s32 @p1 $0x1  }
0x15: {  	[smem:$0x3FB9] =	sst s0;
	s0 =	simm.s32 @!p2 $0x0  }
0x16: {  	s3 =	sld [smem:$0x3FDB];
	s0 =	simm.s32 @p2 $0x1  }
0x17: {  	s4 =	simm.s32 $0x1BF5;
	[smem:$0x3FBB] =	sst s0  }
0x18: {  	s0 =	sld [smem:$0x3F9E];
	_ =	swait.ge [sflag:s4], $0x0  }
0x19: {  	s7 =	sld [smem:$0x3F9F]  }
0x1a: {  	s8 =	sadd.s32 $0xFFFFE003, lr  }
0x1b: {  	s9 =	sadd.s32 $0xFFFFFEF7, lr;
	s5 =	simm.s32 $0xFFFFFFFF;
	p2 =	slt.u32 s8, $0xFFFFF086  }
0x1c: {  	p1 =	slt.u32 s9, $0xF7A;
	s5 =	simm.s32 @!p2 $0x0  }
0x1d: {  	s5 =	simm.s32 @p1 $0x1;
	p0 =	seq.s32 s7, s2  }
0x1e: {  	s7 =	smul.u32 @!p0 $0xF7A, s2;
	p2 =	seq.s32 @!p0 s5, $0x0  }
0x1f: {  	s9 =	smul.u32 $0xF7A, s1;
	s8 =	simm.s32 @!p0 $0x1BF5;
	p2 =	por !p2, p0  }
0x20: {  	[sflag:s8] =	ssyncset.s32 @!p0 $0xFFFFF086;
	s6 =	sadd.s32 @!p0 s3, s7;
	s7 =	simm.s32 @!p0 $0x108  }
0x21: {  	s3 =	sadd.s32 s3, s9;
	s6 =	sadd.s32 @!p0 $0x88, s6;
	s7 =	simm.s32 @p2 $0x1082  }
0x22: {  	[simem:s7], [sflag:s8] =	dma.local @!p0 [hbm:s6], $0xF7A  }
0x23: {  	s9 =	sor.u32 $0xD0000000, s2;
	s6 =	simm.s32 $0x108;
	_ =	swait.ge @!p0 [sflag:s8], $0x0  }
0x24: {  	s3 =	sadd.s32 $0x88, s3;
	s6 =	simm.s32 @!p1 $0x1082;
	[sflag:s4] =	ssyncset.s32 $0xFFFFF086  }
0x25: {  	[simem:s6], [sflag:s4] =	dma.local [hbm:s3], $0xF7A  }
0x26: {  	[smem:$0x3F9F] =	sst s1;
	(tag) =	ssettag s2;
	_ =	strace s9  }
0x27: {  	s1 =	sld [smem:$0x3FAF]  }
0x28: {  	s2 =	sld [smem:$0x3FB0]  }
0x29: {  	s4 =	sld [smem:$0x3FB2]  }
0x2a: {  	p0 =	seq.s32 s5, $0x0;
	s5 =	sld [smem:$0x3FB3]  }
0x2b: {  	s6 =	sld [smem:$0x3FB4]  }
0x2c: {  	s7 =	sld [smem:$0x3FB5]  }
0x2d: {  	s3 =	simm.s32 $0x108;
	s8 =	sld [smem:$0x3FB6]  }
0x2e: {  	s3 =	simm.s32 @!p0 $0x1082;
	s9 =	sld [smem:$0x3FB7]  }
0x2f: {  	lr =	sadd.s32 s0, s3;
	s0 =	sld [smem:$0x3FAE]  }
0x30: {  	s3 =	sld [smem:$0x3FB1]  }
0x31: {  	[smem:$0x3FBA] =	sst s10  }
0x32: {  	s10 =	sld [smem:$0x3FB8];
	_ =	sdelay $0x3  }
0x33: {  	p0 =	seq.s32 s10, $0x1;
	s10 =	sld [smem:$0x3FBA];
	_ =	sdelay $0x3  }
0x34: {  	[smem:$0x3FBA] =	sst s10  }
0x35: {  	s10 =	sld [smem:$0x3FB9];
	_ =	sdelay $0x3  }
0x36: {  	p1 =	seq.s32 s10, $0x1;
	s10 =	sld [smem:$0x3FBA];
	_ =	sdelay $0x3  }
0x37: {  	[smem:$0x3FBA] =	sst s10  }
0x38: {  	s10 =	sld [smem:$0x3FBB]  }
0x39: {  	_ = 	snop;
	(pc) =	sbr.ind lr, $3  }
0x3a: {  	_ = 	snop  }
0x3b: {  	_ = 	snop  }
0x3c: {  	p2 =	seq.s32 s10, $0x1;
	s10 =	sld [smem:$0x3FBA]  }
0x3d: {  	_ =	shalt  }
0x3e: {  	_ =	shalt  }
0x3f: {  	_ =	shalt  }
0x40: {  	_ =	shalt  }
0x41: {  	_ =	shalt  }
0x42: {  	_ =	shalt  }
0x43: {  	_ =	shalt  }
0x44: {  	_ =	shalt  }
0x45: {  	_ =	shalt  }
0x46: {  	_ =	shalt  }
0x47: {  	_ =	shalt  }
0x48: {  	_ =	shalt  }
0x49: {  	_ =	shalt  }
0x4a: {  	_ =	shalt  }
0x4b: {  	_ =	shalt  }
0x4c: {  	_ =	shalt  }
0x4d: {  	_ =	shalt  }
0x4e: {  	_ =	shalt  }
0x4f: {  	_ =	shalt  }
0x50: {  	_ =	shalt  }
0x51: {  	_ =	shalt  }
0x52: {  	_ =	shalt  }
0x53: {  	_ =	shalt  }
0x54: {  	_ =	shalt  }
0x55: {  	_ =	shalt  }
0x56: {  	_ =	shalt  }
0x57: {  	_ =	shalt  }
0x58: {  	_ =	shalt  }
0x59: {  	_ =	shalt  }
0x5a: {  	_ =	shalt  }
0x5b: {  	_ =	shalt  }
0x5c: {  	_ =	shalt  }
0x5d: {  	_ =	shalt  }
0x5e: {  	_ =	shalt  }
0x5f: {  	_ =	shalt  }
0x60: {  	_ =	shalt  }
0x61: {  	_ =	shalt  }
0x62: {  	_ =	shalt  }
0x63: {  	_ =	shalt  }
0x64: {  	_ =	shalt  }
0x65: {  	_ =	shalt  }
0x66: {  	_ =	shalt  }
0x67: {  	_ =	shalt  }
0x68: {  	_ =	shalt  }
0x69: {  	_ =	shalt  }
0x6a: {  	_ =	shalt  }
0x6b: {  	_ =	shalt  }
0x6c: {  	_ =	shalt  }
0x6d: {  	_ =	shalt  }
0x6e: {  	_ =	shalt  }
0x6f: {  	_ =	shalt  }
0x70: {  	_ =	shalt  }
0x71: {  	_ =	shalt  }
0x72: {  	_ =	shalt  }
0x73: {  	_ =	shalt  }
0x74: {  	_ =	shalt  }
0x75: {  	_ =	shalt  }
0x76: {  	_ =	shalt  }
0x77: {  	_ =	shalt  }
0x78: {  	_ =	shalt  }
0x79: {  	_ =	shalt  }
0x7a: {  	_ =	shalt  }
0x7b: {  	_ =	shalt  }
0x7c: {  	_ =	shalt  }
0x7d: {  	_ =	shalt  }
0x7e: {  	_ =	shalt  }
0x7f: {  	_ =	shalt  }
0x80: {  	_ =	shalt  }
0x81: {  	_ =	shalt  }
0x82: {  	_ =	shalt  }
0x83: {  	_ =	shalt  }
0x84: {  	_ =	shalt  }
0x85: {  	_ =	shalt  }
0x86: {  	_ =	shalt  }
0x87: {  	_ =	shalt  }
.Lfunc_end0:
.L_simem_size_0:
called_computation_lowered:
.L_overlay_start_0:
0x88: {  	s2 =	sld [smem:$0x3FD9]  }
0x89: {  	s3 =	sld [smem:$0x3FFE];
	_ =	sdelay $0x1  }
0x8a: {  	s1 =	srdreg.scid  }
0x8b: {  	s0 =	sand.u32 $0x1, s1  }
0x8c: {  	s17 =	sshll.u32 s0, $0xA;
	s2 =	sadd.s32 s3, s2  }
0x8d: {  	s2 =	sadd.s32 s2, s17  }
0x8e: {  	[smem:$0x3FC6] =	sst s2  }
0x8f: {  	_ = 	snop  }
0x90: {  	s2 =	sld [smem:$0x3FC8]  }
0x91: {  	s18 =	sld [smem:$0x3FD0];
	(tm) =	ssettm $0x1  }
0x92: {  	s4 =	sld [smem:$0x3FFB];
	_ =	sdelay $0x3  }
0x93: {  	_ =	strace s4  }
0x94: {  	s4 =	sld [smem:$0x3FFC];
	_ =	sdelay $0x3  }
0x95: {  	_ =	strace s4  }
0x96: {  	s4 =	sld [smem:$0x3FFD];
	_ =	sdelay $0x3  }
0x97: {  	_ =	strace s4  }
0x98: {  	_ =	strace $0x8FFFFFFF  }
0x99: {  	s19 =	sld [smem:$0x3FDB];
	_ =	sdelay $0x1  }
0x9a: {  	s5 =	simm.s32 $_scs_section_size  }
0x9b: {  	s6 =	simm.s32 $_size__tile_overlayer_lowered;
	s7 =	simm.s32 $_tile_overlayer_lowered  }
0x9c: {  	s22 =	simm.s32 $0x1BFF;
	s21 =	sshll.u32 s7, $0x1;
	s4 =	sadd.s32 s5, s19  }
0x9d: {  	s8 =	simm.s32 $0x0;
	s20 =	sshll.u32 s6, $0x1;
	s6 =	sadd.s32 s21, s4  }
0x9e: {  	[timem:s8], [sflag:s22] =	dma.local [hbm:s6], s20  }
0x9f: {  	_ =	swait.ge [sflag:s22], s20  }
0xa0: {  	s5 =	ssub.s32 $0x0, s20;
	[sflag:s22] =	ssyncset.done $0x0  }
0xa1: {  	[sflag:s22] =	ssyncadd.s32 s5;
	_ =	sdelay $0x1  }
0xa2: {  	s23 =	simm.s32 $0x1B8B  }
0xa3: {  	_ =	swait.ge [sflag:s23], $0x1  }
0xa4: {  	[sflag:s23] =	ssyncset.done $0x0  }
0xa5: {  	s25 =	simm.s32 $0x1B8E;
	s24 =	sld [smem:$0x3FFE];
	[sflag:s23] =	ssyncadd.s32 $0xFFFFFFFF  }
0xa6: {  	s26 =	simm.s32 $execute0_lowered;
	[smem:$0x3FD2] =	sst s25  }
0xa7: {  	s6 =	sshll.u32 s26, $0x1;
	_ =	strace $0x80000046;
	[dreg:$0x1] =	wrdreg $0xFFFFFFFF  }
0xa8: {  	s28 =	simm.s32 $_size_execute0_lowered;
	s4 =	sadd.s32 s4, s6;
	[dreg:$0x0] =	wrdreg $0x0  }
0xa9: {  	s6 =	sshll.u32 s28, $0x1;
	[dreg:$0x2] =	wrdreg s4  }
0xaa: {  	[dreg:$0x3] =	wrdreg s6  }
0xab: {  	[dreg:$0x4] =	wrdreg $0xC0  }
0xac: {  	_ =	task [dreg:s8], $0x5FFFF  }
0xad: {  	[dreg:$0x1] =	wrdreg $0xFFFFFFFF  }
0xae: {  	[dreg:$0x0] =	wrdreg $0x60  }
0xaf: {  	[dreg:$0x2] =	wrdreg s24  }
0xb0: {  	[dreg:$0x3] =	wrdreg s2  }
0xb1: {  	[dreg:$0x4] =	wrdreg s18  }
0xb2: {  	[dreg:$0x5] =	wrdreg $0x9  }
0xb3: {  	_ =	task.clear_ibuf [dreg:s8], $0x6FFFF;
	_ =	strace $0x90000046  }
0xb4: {  	s29 =	simm.s32 $0x9;
	_ =	strace $0x80000048  }
0xb5: {  	_ =	swait.ge [sflag:s29], $0x1  }
0xb6: {  	[sflag:s29] =	ssyncadd.s32 $0xFFFFFFFF  }
0xb7: {  	_ =	strace $0x90000048  }
0xb8: {  	_ =	sfence  }
0xb9: {  	s30 =	sld [smem:$0x0];
	_ =	sdelay $0x2  }
0xba: {  	s31 =	sshll.u32 s1, $0xD;
	s1 =	sshrl.u32 s1, $0x2  }
0xbb: {  	s3 =	sand.u32 $0x4000, s31;
	s1 =	sadd.s32 s1, s30  }
0xbc: {  	s0 =	sor.u32 s3, s0;
	s1 =	sshll.u32 s1, $0x11  }
0xbd: {  	s0 =	sor.u32 s1, s0  }
0xbe: {  	s0 =	sadd.s32 $0x8F2B, s0  }
0xbf: {  	[sflag:s0] =	ssyncadd.remote.s32 $0x1  }
0xc0: {  	_ =	sfence.sel $0xFFFF  }
0xc1: {  	[dreg:$0x0] =	wrdreg $0xFFFFFFFF;
	(pc) =	sbr.abs _section_cstart, $3  }
0xc2: {  	[dreg:$0x1] =	wrdreg $0xFFFFFFFF  }
0xc3: {  	_ =	task.clear_ibuf [dreg:s8], $0x2FFFF;
	_ =	strace $0x9FFFFFFF  }
0xc4: {  	(tm) =	ssettm $0x7FFFFFFF  }
0xc5: {  	_ =	shalt  }
tec
execute0_lowered:
.L_overlay_start_1:
0x0: {  	(tag) =	ssettag $0x1  }
0x1: {  	s0 =	rddreg [dreg:$0x0]  }
0x2: {  	s2 =	rddreg [dreg:$0x1]  }
0x3: {  	s3 =	rddreg [dreg:$0x2];
	s1 =	simm.s32 $0x0;
	s4 =	srdreg.scid  }
0x4: {  	s7 =	stileid.u32;
	[smem:$0x7FF] =	sst s1;
	s4 =	sand.u32 $0x1, s4  }
0x5: {  	s6 =	sadd.s32 $0x400, s0;
	s21 =	sshll.u32 s7, $0x9;
	s22 =	sadd.s32 $0x7C1, s0  }
0x6: {  	s23 =	sadd.s32 $0xB82, s0;
	_ =	strace $0x80000047;
	[dreg:$0x4] =	wrdreg s6  }
0x7: {  	s5 =	ssub.s32 $0x2, s4;
	s4 =	sshll.u32 s4, $0x8;
	[dreg:$0x5] =	wrdreg s22  }
0x8: {  	s0 =	sadd.s32 $0xF43, s0;
	[dreg:$0x6] =	wrdreg s23;
	s4 =	sor.u32 s4, s21  }
0x9: {  	[dreg:$0x7] =	wrdreg s0;
	s24 =	sadd.s32 s2, s4  }
0xa: {  	s19 =	simm.s32 $0x800;
	s25 =	sadd.s32 s3, s4;
	[dreg:$0x8] =	wrdreg s24  }
0xb: {  	s29 =	simm.s32 $0x5;
	s26 =	sadd.s32 $0x10000, s25;
	[dreg:$0x9] =	wrdreg s25  }
0xc: {  	s20 =	sshrl.u32 s5, $0x1;
	s28 =	sadd.s32 $0x20000, s25;
	[dreg:$0xa] =	wrdreg s26  }
0xd: {  	s5 =	ssub.s32 s5, s20;
	s0 =	sadd.s32 $0x30000, s25;
	[dreg:$0xb] =	wrdreg s28  }
0xe: {  	s30 =	simm.s32 $0x0;
	s31 =	smax.u32 s5, $0x1;
	[dreg:$0xc] =	wrdreg s0  }
0xf: {  	s20 =	simm.s32 $0x10000;
	[dreg:$0xd] =	wrdreg s31;
	s26 =	simm.s32 $0x4  }
.LBB2_1:
0x10: {  	s0 =	rddreg [dreg:$0x4]  }
0x11: {  	[tilespmem:s1], [sflag:$0x1] =	stream.linear.gather [hbm4b:s0+s1], $0x1E08, $0x38;
	[tilespmem:$0x18080] =	vst v63  }
0x12: {  	s14 =	rddreg [dreg:$0x5];
	s2 =	simm.s32 $0x1E08  }
0x13: {  	[tilespmem:s2], [sflag:$0x2] =	stream.linear.gather [hbm4b:s14+s1], $0x1E08, $0x38;
	[tilespmem:$0x18080] =	vst v63  }
0x14: {  	s15 =	rddreg [dreg:$0x6];
	s16 =	simm.s32 $0x3C10  }
0x15: {  	[tilespmem:s16], [sflag:$0x3] =	stream.linear.gather [hbm4b:s15+s1], $0x1E08, $0x38;
	[tilespmem:$0x18080] =	vst v63  }
0x16: {  	s17 =	rddreg [dreg:$0x7];
	s18 =	simm.s32 $0x5A18  }
0x17: {  	[tilespmem:s18], [sflag:$0x4] =	stream.linear.gather [hbm4b:s17+s1], $0x1E08, $0x38;
	[tilespmem:$0x18080] =	vst v63  }
0x18: {  	s21 =	rddreg [dreg:$0x8];
	s22 =	simm.s32 $0x7880;
	s23 =	simm.s32 $0x6  }
0x19: {  	[tilespmem:s22], [sflag:$0x6] =	stream.linear.gather [hbm4b:s21+s1], $0x800, $0x38;
	[tilespmem:$0x18080] =	vst v63  }
0x1a: {  	_ =	swait.ge [sflag:s23], $0x800  }
0x1b: {  	[sflag:s23] =	ssyncset.done $0x0  }
0x1c: {  	s3 =	simm.s32 $0x1;
	s24 =	sand.u32 $0x400, s1;
	[sflag:s23] =	ssyncadd.s32 $0xFFFFF800  }
0x1d: {  	s25 =	sand.u32 $0x380, s1;
	s4 =	sand.u32 $0x60, s1;
	_ =	swait.ge [sflag:s3], $0x1E08  }
0x1e: {  	s9 =	sor.u32 s25, s24;
	s7 =	sor.u32 $0x10, s4;
	[sflag:s3] =	ssyncset.done $0x0  }
0x1f: {  	s2 =	sor.u32 s7, s9;
	[sflag:s3] =	ssyncadd.s32 $0xFFFFE1F8  }
0x20: {  	s28 =	sor.u32 s4, s9;
	v2 =	vld [tilespmem:s2+$0x7880]  }
0x21: {  	v3 =	vld [tilespmem:s28+$0x7880];
	_ =	sdelay $0x6  }
0x22: {  	v0 =	vld.idx.msk [tilespmem:v2+s1+$0x0], $0xffff  }
0x23: {  	v4 =	vadd.s32 $0x3C1, v2;
	v1 =	vld.idx.msk [tilespmem:v3+s1+$0x0], $0xffff  }
0x24: {  	v5 =	vadd.s32 $0x3C1, v3;
	_ =	sdelay $0x2  }
0x25: {  	s10 =	simm.s32 $0x100;
	s5 =	simm.s32 $0x10;
	s6 =	simm.s32 $0x20;
	[tilespmem:s2+$0x8080] =	vst v0  }
0x26: {  	s8 =	sand.u32 $0x400, s10;
	s5 =	sand.u32 $0x380, s5;
	s0 =	sand.u32 $0x60, s6;
	[tilespmem:s28+$0x8080] =	vst v1;
	v1 =	vld.idx.msk [tilespmem:v4+s1+$0x0], $0xffff  }
0x27: {  	s13 =	sor.u32 $0x10, s0;
	v6 =	vadd.s32 $0x782, v2;
	s2 =	sor.u32 s5, s8;
	v5 =	vld.idx.msk [tilespmem:v5+s1+$0x0], $0xffff  }
0x28: {  	v7 =	vadd.s32 $0x782, v3;
	s11 =	sor.u32 s13, s2  }
0x29: {  	s12 =	sadd.s32 $0x8880, s9;
	s5 =	sor.u32 s0, s2;
	v0 =	vld [tilespmem:s11+$0x7880]  }
0x2a: {  	s14 =	sor.u32 s7, s12;
	v4 =	vld [tilespmem:s5+$0x7880]  }
0x2b: {  	s6 =	sor.u32 s4, s12;
	[tilespmem:s14+$0x0] =	vst v1  }
0x2c: {  	[tilespmem:s6+$0x0] =	vst v5;
	v1 =	vld.idx.msk [tilespmem:v6+s1+$0x0], $0xffff  }
0x2d: {  	v6 =	vld.idx.msk [tilespmem:v7+s1+$0x0], $0xffff  }
0x2e: {  	v5 =	vadd.s32 $0xB43, v2  }
0x2f: {  	s15 =	sadd.s32 $0x9080, s9;
	v7 =	vadd.s32 $0xB43, v3  }
0x30: {  	s10 =	simm.s32 $0x40;
	s16 =	sor.u32 s7, s15  }
0x31: {  	s17 =	simm.s32 $0x200;
	s18 =	simm.s32 $0x20;
	s6 =	sor.u32 s4, s15;
	v8 =	vld.idx.msk [tilespmem:v0+s1+$0x0], $0xffff;
	[tilespmem:s16+$0x0] =	vst v1  }
0x32: {  	s31 =	sand.u32 $0x60, s10;
	s8 =	sand.u32 $0x380, s18;
	v10 =	vadd.s32 $0x3C1, v0;
	v9 =	vld.idx.msk [tilespmem:v4+s1+$0x0], $0xffff;
	[tilespmem:s6+$0x0] =	vst v6;
	s6 =	sand.u32 $0x400, s17  }
0x33: {  	s14 =	sor.u32 $0x10, s31;
	v11 =	vadd.s32 $0x3C1, v4;
	v5 =	vld.idx.msk [tilespmem:v5+s1+$0x0], $0xffff;
	s15 =	sor.u32 s8, s6  }
0x34: {  	v6 =	vadd.s32 $0xF04, v2;
	v7 =	vld.idx.msk [tilespmem:v7+s1+$0x0], $0xffff;
	s22 =	sor.u32 s14, s15  }
0x35: {  	s24 =	sor.u32 s31, s15;
	v1 =	vld [tilespmem:s22+$0x7880]  }
0x36: {  	s21 =	sadd.s32 $0x9880, s9;
	[tilespmem:s11+$0x8080] =	vst v8;
	v12 =	vld [tilespmem:s24+$0x7880]  }
0x37: {  	s23 =	sor.u32 s7, s21;
	[tilespmem:s5+$0x8080] =	vst v9;
	v8 =	vld.idx.msk [tilespmem:v10+s1+$0x0], $0xffff;
	v10 =	vadd.s32 $0xF04, v3  }
0x38: {  	v9 =	vld.idx.msk [tilespmem:v11+s1+$0x0], $0xffff;
	[tilespmem:s23+$0x0] =	vst v5;
	v5 =	vadd.s32 $0x782, v0  }
0x39: {  	v11 =	vadd.s32 $0x782, v4;
	v6 =	vld.idx.msk [tilespmem:v6+s1+$0x0], $0xffff  }
0x3a: {  	s3 =	sor.u32 s4, s21;
	v13 =	vadd.s32 $0x12C5, v2;
	s25 =	sadd.s32 $0x8880, s2  }
0x3b: {  	s28 =	sor.u32 s13, s25;
	[tilespmem:s3+$0x0] =	vst v7  }
0x3c: {  	s10 =	sadd.s32 $0xA080, s9;
	s8 =	sor.u32 s0, s25;
	v7 =	vld.idx.msk [tilespmem:v10+s1+$0x0], $0xffff;
	[tilespmem:s28+$0x0] =	vst v8  }
0x3d: {  	s11 =	sor.u32 s7, s10;
	v8 =	vadd.s32 $0x12C5, v3;
	[tilespmem:s8+$0x0] =	vst v9;
	v5 =	vld.idx.msk [tilespmem:v5+s1+$0x0], $0xffff  }
0x3e: {  	v10 =	vadd.s32 $0xB43, v0;
	v9 =	vld.idx.msk [tilespmem:v11+s1+$0x0], $0xffff;
	[tilespmem:s11+$0x0] =	vst v6  }
0x3f: {  	s12 =	sadd.s32 $0x9080, s2;
	v6 =	vadd.s32 $0xB43, v4;
	v11 =	vld.idx.msk [tilespmem:v13+s1+$0x0], $0xffff  }
0x40: {  	s16 =	sor.u32 s13, s12;
	s3 =	sor.u32 s4, s10;
	v13 =	vld.idx.msk [tilespmem:v1+s1+$0x0], $0xffff  }
0x41: {  	v14 =	vadd.s32 $0x1686, v2;
	s8 =	sor.u32 s0, s12;
	s12 =	simm.s32 $0x30;
	s11 =	simm.s32 $0x300;
	[tilespmem:s3+$0x0] =	vst v7;
	v7 =	vld.idx.msk [tilespmem:v12+s1+$0x0], $0xffff  }
0x42: {  	v15 =	vadd.s32 $0x3C1, v1;
	s21 =	sand.u32 $0x380, s12;
	s18 =	sand.u32 $0x400, s11;
	s3 =	simm.s32 $0x60;
	[tilespmem:s16+$0x0] =	vst v5;
	v5 =	vld.idx.msk [tilespmem:v8+s1+$0x0], $0xffff  }
0x43: {  	s10 =	sadd.s32 $0xA880, s9;
	v16 =	vadd.s32 $0x3C1, v12;
	s23 =	sor.u32 s21, s18;
	[tilespmem:s8+$0x0] =	vst v9;
	s16 =	sand.u32 $0x60, s3;
	v8 =	vld.idx.msk [tilespmem:v10+s1+$0x0], $0xffff  }
0x44: {  	s17 =	sor.u32 s7, s10;
	v6 =	vld.idx.msk [tilespmem:v6+s1+$0x0], $0xffff;
	s6 =	sor.u32 s16, s23  }
0x45: {  	v9 =	vadd.s32 $0xF04, v0;
	[tilespmem:s17+$0x0] =	vst v11;
	v18 =	vld [tilespmem:s6+$0x7880]  }
0x46: {  	[tilespmem:s22+$0x8080] =	vst v13;
	v11 =	vadd.s32 $0xF04, v4;
	v10 =	vld.idx.msk [tilespmem:v14+s1+$0x0], $0xffff  }
0x47: {  	s10 =	sor.u32 s4, s10;
	s21 =	sor.u32 $0x10, s16;
	s22 =	sadd.s32 $0x9880, s2;
	[tilespmem:s24+$0x8080] =	vst v7;
	v7 =	vld.idx.msk [tilespmem:v15+s1+$0x0], $0xffff;
	v14 =	vadd.s32 $0x1A47, v2  }
0x48: {  	s5 =	sor.u32 s21, s23;
	s24 =	sor.u32 s13, s22;
	v15 =	vadd.s32 $0x782, v1;
	v13 =	vld.idx.msk [tilespmem:v16+s1+$0x0], $0xffff;
	[tilespmem:s10+$0x0] =	vst v5  }
0x49: {  	s11 =	sadd.s32 $0xB080, s9;
	v2 =	vld [tilespmem:s5+$0x7880];
	s8 =	sor.u32 s0, s22;
	v16 =	vadd.s32 $0x1686, v3;
	[tilespmem:s24+$0x0] =	vst v8  }
0x4a: {  	s25 =	sadd.s32 $0x8880, s15;
	s28 =	sor.u32 s7, s11;
	[tilespmem:s8+$0x0] =	vst v6;
	v9 =	vld.idx.msk [tilespmem:v9+s1+$0x0], $0xffff  }
0x4b: {  	s17 =	sor.u32 s14, s25;
	v8 =	vadd.s32 $0x782, v12;
	[tilespmem:s28+$0x0] =	vst v10;
	v10 =	vld.idx.msk [tilespmem:v11+s1+$0x0], $0xffff  }
0x4c: {  	v6 =	vadd.s32 $0x12C5, v0;
	s8 =	sor.u32 s31, s25;
	[tilespmem:s17+$0x0] =	vst v7;
	v7 =	vld.idx.msk [tilespmem:v14+s1+$0x0], $0xffff  }
0x4d: {  	[tilespmem:s8+$0x0] =	vst v13;
	v13 =	vld.idx.msk [tilespmem:v15+s1+$0x0], $0xffff;
	v14 =	vadd.s32 $0x12C5, v4  }
0x4e: {  	v23 =	vadd.s32 $0xB43, v1;
	v26 =	vadd.s32 $0xB43, v12;
	s18 =	sadd.s32 $0xA080, s2;
	v25 =	vld.idx.msk [tilespmem:v16+s1+$0x0], $0xffff  }
0x4f: {  	s22 =	sor.u32 s13, s18;
	v5 =	vadd.s32 $0x1686, v12;
	v19 =	vadd.s32 $0x3C1, v18;
	v11 =	vadd.s32 $0xF04, v12;
	v22 =	vld.idx.msk [tilespmem:v18+s1+$0x0], $0xffff  }
0x50: {  	s9 =	sadd.s32 $0xB880, s9;
	s8 =	sor.u32 s0, s18;
	v15 =	vadd.s32 $0x782, v18;
	v20 =	vld.idx.msk [tilespmem:v8+s1+$0x0], $0xffff;
	v8 =	vadd.s32 $0x1A47, v3;
	v3 =	vadd.s32 $0x1A47, v4;
	[tilespmem:s22+$0x0] =	vst v9  }
0x51: {  	s7 =	sor.u32 s7, s9;
	s24 =	sadd.s32 $0x9080, s15;
	v9 =	vadd.s32 $0x12C5, v12;
	v16 =	vld.idx.msk [tilespmem:v6+s1+$0x0], $0xffff;
	v6 =	vadd.s32 $0x1686, v4;
	[tilespmem:s8+$0x0] =	vst v10;
	v4 =	vadd.s32 $0x1A47, v12  }
0x52: {  	s25 =	sor.u32 s14, s24;
	v12 =	vadd.s32 $0xB43, v18;
	v10 =	vadd.s32 $0x12C5, v18;
	[tilespmem:s7+$0x0] =	vst v7;
	v17 =	vld.idx.msk [tilespmem:v14+s1+$0x0], $0xffff;
	v14 =	vadd.s32 $0xF04, v18  }
0x53: {  	v21 =	vld.idx.msk [tilespmem:v2+s1+$0x0], $0xffff;
	[tilespmem:s25+$0x0] =	vst v13;
	v7 =	vadd.s32 $0x1686, v18;
	v13 =	vadd.s32 $0x1A47, v18;
	v18 =	vadd.s32 $0x1686, v0  }
0x54: {  	s10 =	sor.u32 s31, s24;
	s28 =	sor.u32 s4, s11;
	v24 =	vadd.s32 $0x3C1, v2  }
0x55: {  	s4 =	sor.u32 s4, s9;
	s9 =	simm.s32 $0x400;
	s25 =	sadd.s32 $0xA880, s2;
	[tilespmem:s10+$0x0] =	vst v20;
	v20 =	vld.idx.msk [tilespmem:v23+s1+$0x0], $0xffff  }
0x56: {  	s7 =	simm.s32 $0x6;
	[tilespmem:s28+$0x0] =	vst v25;
	s8 =	sor.u32 s13, s25;
	s10 =	simm.s32 $0x40;
	v23 =	vld.idx.msk [tilespmem:v26+s1+$0x0], $0xffff  }
.LBB2_2:
0x57: {  	s12 =	sand.u32 $0x400, s9;
	s28 =	sand.u32 $0x380, s10;
	s3 =	sadd.s32 $0x20, s3;
	v25 =	vadd.s32 $0xF04, v1;
	[tilespmem:s8+$0x0] =	vst v16;
	v16 =	vld.idx.msk [tilespmem:v8+s1+$0x0], $0xffff;
	v8 =	vmovc v3;
	v3 =	vmov v4;
	v4 =	vmov v13  }
0x58: {  	s8 =	sor.u32 s0, s25;
	s11 =	sand.u32 $0x60, s3;
	s12 =	sor.u32 s28, s12;
	[tilespmem:s5+$0x8080] =	vst v21;
	v13 =	vld.idx.msk [tilespmem:v18+s1+$0x0], $0xffff  }
0x59: {  	s7 =	sadd.s32 $0x2, s7;
	s28 =	sadd.s32 $0x9880, s15;
	s25 =	sor.u32 $0x10, s11;
	[tilespmem:s6+$0x8080] =	vst v22;
	v18 =	vld.idx.msk [tilespmem:v24+s1+$0x0], $0xffff  }
0x5a: {  	p0 =	slt.u32 s7, $0x7E;
	s17 =	sor.u32 s14, s28;
	s5 =	sor.u32 s25, s12;
	v19 =	vld.idx.msk [tilespmem:v19+s1+$0x0], $0xffff;
	[tilespmem:s8+$0x0] =	vst v17;
	v17 =	vadd.s32 $0x1A47, v0;
	v0 =	vmov v1;
	v1 =	vmov v2  }
0x5b: {  	s6 =	sor.u32 s11, s12;
	s28 =	sor.u32 s31, s28;
	s8 =	smov.u32 s21;
	v2 =	vld [tilespmem:s5+$0x7880];
	v21 =	vadd.s32 $0x782, v1;
	[tilespmem:s17+$0x0] =	vst v20  }
0x5c: {  	s21 =	smov.u32 s25;
	s17 =	sadd.s32 $0xB080, s2;
	[tilespmem:s28+$0x0] =	vst v23;
	v20 =	vld.idx.msk [tilespmem:v25+s1+$0x0], $0xffff  }
0x5d: {  	s25 =	sadd.s32 $0x8880, s23;
	s28 =	sor.u32 s0, s17;
	s17 =	sor.u32 s13, s17;
	v22 =	vld [tilespmem:s6+$0x7880];
	[tilespmem:s4+$0x0] =	vst v16  }
0x5e: {  	s4 =	sor.u32 s16, s25;
	s25 =	sor.u32 s8, s25;
	v16 =	vadd.s32 $0x12C5, v0;
	v23 =	vld.idx.msk [tilespmem:v11+s1+$0x0], $0xffff;
	[tilespmem:s17+$0x0] =	vst v13;
	v11 =	vmov v14  }
0x5f: {  	[tilespmem:s25+$0x0] =	vst v18;
	v17 =	vld.idx.msk [tilespmem:v17+s1+$0x0], $0xffff  }
0x60: {  	[tilespmem:s4+$0x0] =	vst v19;
	v25 =	vld.idx.msk [tilespmem:v21+s1+$0x0], $0xffff;
	s4 =	sadd.s32 $0xA080, s15  }
0x61: {  	v26 =	vld.idx.msk [tilespmem:v15+s1+$0x0], $0xffff;
	s17 =	sor.u32 s31, s4;
	s4 =	sor.u32 s14, s4  }
0x62: {  	v27 =	vadd.s32 $0xB43, v1;
	s25 =	sadd.s32 $0xB880, s2;
	s2 =	smov.u32 s15;
	s15 =	smov.u32 s23;
	v19 =	vadd.s32 $0x3C1, v22;
	v15 =	vadd.s32 $0x782, v22;
	[tilespmem:s4+$0x0] =	vst v20;
	v28 =	vld.idx.msk [tilespmem:v6+s1+$0x0], $0xffff;
	v6 =	vmovc v5;
	v5 =	vmovc v7  }
0x63: {  	s23 =	sadd.s32 $0x9080, s15;
	v29 =	vadd.s32 $0xB43, v22;
	v14 =	vadd.s32 $0xF04, v22;
	v20 =	vadd.s32 $0x12C5, v22;
	v16 =	vld.idx.msk [tilespmem:v16+s1+$0x0], $0xffff  }
.Ltmp0:
0x64: {  	v7 =	vadd.s32 $0x1686, v22;
	v13 =	vadd.s32 $0x1A47, v22;
	s4 =	sor.u32 s0, s25;
	s0 =	sor.u32 s13, s25;
	v21 =	vld.idx.msk [tilespmem:v2+s1+$0x0], $0xffff;
	[tilespmem:s17+$0x0] =	vst v23;
	(pc) =	sbr.rel @p0 .LBB2_2-.Ltmp0, $4  }
0x65: {  	v18 =	vadd.s32 $0x1686, v0;
	s13 =	sor.u32 s16, s23;
	s17 =	sor.u32 s8, s23;
	v22 =	vld.idx.msk [tilespmem:v22+s1+$0x0], $0xffff;
	[tilespmem:s0+$0x0] =	vst v17;
	s0 =	smov.u32 s31  }
0x66: {  	v24 =	vadd.s32 $0x3C1, v2;
	s23 =	smov.u32 s12;
	s31 =	smov.u32 s16;
	s16 =	smov.u32 s11;
	[tilespmem:s17+$0x0] =	vst v25;
	v17 =	vld.idx.msk [tilespmem:v9+s1+$0x0], $0xffff;
	v9 =	vmov v10;
	v10 =	vmov v20  }
0x67: {  	s25 =	sadd.s32 $0xA880, s2;
	[tilespmem:s13+$0x0] =	vst v26;
	v20 =	vld.idx.msk [tilespmem:v27+s1+$0x0], $0xffff;
	s13 =	smov.u32 s14;
	s14 =	smov.u32 s8  }
0x68: {  	s9 =	sadd.s32 $0x100, s9;
	s10 =	sadd.s32 $0x10, s10;
	v23 =	vld.idx.msk [tilespmem:v12+s1+$0x0], $0xffff;
	s8 =	sor.u32 s13, s25;
	[tilespmem:s28+$0x0] =	vst v28;
	v12 =	vmov v29  }
0x69: {  	_ =	sdelay $0x2  }
0x6a: {  	[tilespmem:s5+$0x8080] =	vst v21  }
0x6b: {  	[tilespmem:s6+$0x8080] =	vst v22;
	v21 =	vld.idx.msk [tilespmem:v24+s1+$0x0], $0xffff  }
0x6c: {  	v22 =	vadd.s32 $0x782, v2;
	v19 =	vld.idx.msk [tilespmem:v19+s1+$0x0], $0xffff;
	_ =	sdelay $0x1  }
0x6d: {  	s3 =	sadd.s32 $0x8880, s23  }
0x6e: {  	s28 =	sor.u32 s21, s3  }
0x6f: {  	s3 =	sor.u32 s16, s3;
	[tilespmem:s28+$0x0] =	vst v21  }
0x70: {  	[tilespmem:s3+$0x0] =	vst v19;
	v19 =	vld.idx.msk [tilespmem:v22+s1+$0x0], $0xffff  }
0x71: {  	v21 =	vadd.s32 $0xB43, v2;
	v15 =	vld.idx.msk [tilespmem:v15+s1+$0x0], $0xffff;
	_ =	sdelay $0x1  }
0x72: {  	s6 =	sadd.s32 $0x9080, s23  }
0x73: {  	s7 =	sor.u32 s21, s6  }
0x74: {  	v22 =	vadd.s32 $0xF04, v1;
	s3 =	sor.u32 s16, s6;
	[tilespmem:s7+$0x0] =	vst v19  }
0x75: {  	[tilespmem:s3+$0x0] =	vst v15;
	v15 =	vld.idx.msk [tilespmem:v21+s1+$0x0], $0xffff  }
0x76: {  	s9 =	sadd.s32 $0x9880, s15;
	v19 =	vadd.s32 $0xF04, v2;
	v12 =	vld.idx.msk [tilespmem:v12+s1+$0x0], $0xffff  }
0x77: {  	s10 =	sor.u32 s14, s9  }
0x78: {  	s11 =	sadd.s32 $0x9880, s23;
	[tilespmem:s10+$0x0] =	vst v20;
	s3 =	sor.u32 s31, s9  }
0x79: {  	s12 =	sor.u32 s21, s11;
	v20 =	vld.idx.msk [tilespmem:v22+s1+$0x0], $0xffff;
	[tilespmem:s3+$0x0] =	vst v23  }
0x7a: {  	s5 =	sor.u32 s16, s11;
	v21 =	vadd.s32 $0x12C5, v1;
	v11 =	vld.idx.msk [tilespmem:v11+s1+$0x0], $0xffff;
	[tilespmem:s12+$0x0] =	vst v15  }
0x7b: {  	[tilespmem:s5+$0x0] =	vst v12;
	v12 =	vld.idx.msk [tilespmem:v19+s1+$0x0], $0xffff  }
0x7c: {  	s17 =	sadd.s32 $0xA080, s15;
	v15 =	vadd.s32 $0x12C5, v2;
	v14 =	vld.idx.msk [tilespmem:v14+s1+$0x0], $0xffff  }
0x7d: {  	[tilespmem:s8+$0x0] =	vst v16;
	v8 =	vld.idx.msk [tilespmem:v8+s1+$0x0], $0xffff;
	s18 =	sor.u32 s14, s17  }
0x7e: {  	s22 =	sadd.s32 $0xA080, s23;
	s3 =	sor.u32 s31, s17;
	[tilespmem:s18+$0x0] =	vst v20  }
0x7f: {  	s24 =	sor.u32 s21, s22;
	v16 =	vld.idx.msk [tilespmem:v21+s1+$0x0], $0xffff;
	[tilespmem:s3+$0x0] =	vst v11  }
0x80: {  	s5 =	sor.u32 s16, s22;
	v11 =	vadd.s32 $0x1686, v1;
	v9 =	vld.idx.msk [tilespmem:v9+s1+$0x0], $0xffff;
	[tilespmem:s24+$0x0] =	vst v12  }
0x81: {  	v12 =	vld.idx.msk [tilespmem:v15+s1+$0x0], $0xffff;
	[tilespmem:s5+$0x0] =	vst v14  }
0x82: {  	[tilespmem:s4+$0x0] =	vst v8;
	s28 =	sor.u32 s0, s25;
	s6 =	sadd.s32 $0xA880, s15;
	v14 =	vadd.s32 $0x1686, v2;
	v10 =	vld.idx.msk [tilespmem:v10+s1+$0x0], $0xffff  }
0x83: {  	[tilespmem:s28+$0x0] =	vst v17;
	s7 =	sor.u32 s14, s6;
	v15 =	vld.idx.msk [tilespmem:v18+s1+$0x0], $0xffff  }
0x84: {  	v0 =	vadd.s32 $0x1A47, v0;
	s8 =	sadd.s32 $0xA880, s23;
	v6 =	vld.idx.msk [tilespmem:v6+s1+$0x0], $0xffff;
	s3 =	sor.u32 s31, s6;
	[tilespmem:s7+$0x0] =	vst v16  }
0x85: {  	s9 =	sor.u32 s21, s8;
	v8 =	vld.idx.msk [tilespmem:v11+s1+$0x0], $0xffff;
	[tilespmem:s3+$0x0] =	vst v9  }
0x86: {  	s11 =	sor.u32 s16, s8;
	s10 =	sadd.s32 $0xB080, s2;
	v1 =	vadd.s32 $0x1A47, v1;
	v5 =	vld.idx.msk [tilespmem:v5+s1+$0x0], $0xffff;
	[tilespmem:s9+$0x0] =	vst v12  }
0x87: {  	s12 =	sor.u32 s13, s10;
	v9 =	vld.idx.msk [tilespmem:v14+s1+$0x0], $0xffff;
	[tilespmem:s11+$0x0] =	vst v10  }
0x88: {  	s17 =	sor.u32 s0, s10;
	s18 =	sadd.s32 $0xB080, s15;
	v2 =	vadd.s32 $0x1A47, v2;
	[tilespmem:s12+$0x0] =	vst v15;
	v7 =	vld.idx.msk [tilespmem:v7+s1+$0x0], $0xffff  }
0x89: {  	[tilespmem:s17+$0x0] =	vst v6;
	s22 =	sor.u32 s14, s18;
	v0 =	vld.idx.msk [tilespmem:v0+s1+$0x0], $0xffff  }
0x8a: {  	v3 =	vld.idx.msk [tilespmem:v3+s1+$0x0], $0xffff;
	s4 =	sor.u32 s31, s18;
	s24 =	sadd.s32 $0xB080, s23;
	[tilespmem:s22+$0x0] =	vst v8  }
0x8b: {  	s25 =	sor.u32 s21, s24;
	v1 =	vld.idx.msk [tilespmem:v1+s1+$0x0], $0xffff;
	[tilespmem:s4+$0x0] =	vst v5  }
0x8c: {  	s28 =	sadd.s32 $0xB880, s2;
	s3 =	sor.u32 s16, s24;
	v4 =	vld.idx.msk [tilespmem:v4+s1+$0x0], $0xffff;
	[tilespmem:s25+$0x0] =	vst v9  }
0x8d: {  	s5 =	sor.u32 s13, s28;
	v2 =	vld.idx.msk [tilespmem:v2+s1+$0x0], $0xffff;
	[tilespmem:s3+$0x0] =	vst v7  }
0x8e: {  	s6 =	sor.u32 s0, s28;
	s7 =	sadd.s32 $0xB880, s15;
	[tilespmem:s5+$0x0] =	vst v0;
	v0 =	vld.idx.msk [tilespmem:v13+s1+$0x0], $0xffff  }
0x8f: {  	[tilespmem:s6+$0x0] =	vst v3;
	s8 =	sor.u32 s14, s7  }
0x90: {  	s2 =	sor.u32 s31, s7;
	s9 =	sadd.s32 $0xB880, s23;
	[tilespmem:s8+$0x0] =	vst v1  }
0x91: {  	s10 =	sor.u32 s21, s9;
	[tilespmem:s2+$0x0] =	vst v4  }
0x92: {  	s0 =	sor.u32 s16, s9;
	[tilespmem:s10+$0x0] =	vst v2  }
0x93: {  	s15 =	simm.s32 $0x2;
	s12 =	simm.s32 $0x0;
	s11 =	simm.s32 $0x8080;
	[tilespmem:s0+$0x0] =	vst v0  }
0x94: {  	s13 =	sand.u32 $0x400, s12;
	s14 =	sand.u32 $0x380, s12;
	s0 =	rddreg [dreg:$0x9]  }
0x95: {  	[hbm4b:s0+s19] =	stream.strided.scatter [tilespmem:s11], [sflag:$0x5], $0x4000, s20, s19, $0x38;
	[tilespmem:$0x18080] =	vst v63  }
0x96: {  	s21 =	sor.u32 s14, s13;
	s3 =	sand.u32 $0x60, s12;
	_ =	swait.ge [sflag:s15], $0x1E08  }
0x97: {  	s16 =	sadd.s32 $0x7880, s21;
	s7 =	sor.u32 $0x10, s3;
	[sflag:s15] =	ssyncset.done $0x0  }
0x98: {  	s17 =	sor.u32 s7, s16;
	[sflag:s15] =	ssyncadd.s32 $0xFFFFE1F8  }
0x99: {  	v2 =	vld [tilespmem:s17+$0x0];
	_ =	sdelay $0x4  }
0x9a: {  	v0 =	vadd.s32 $0x1E08, v2  }
0x9b: {  	s22 =	simm.s32 $0x100;
	s23 =	simm.s32 $0x10  }
0x9c: {  	s18 =	simm.s32 $0x20;
	s4 =	sand.u32 $0x400, s22;
	s5 =	sand.u32 $0x380, s23  }
0x9d: {  	s25 =	sand.u32 $0x60, s18;
	s4 =	sor.u32 s5, s4  }
0x9e: {  	s28 =	sor.u32 $0x10, s25;
	s9 =	sadd.s32 $0x7880, s4  }
0x9f: {  	s10 =	sor.u32 s28, s9;
	v0 =	vld.idx.msk [tilespmem:v0+s1+$0x0], $0xffff  }
0xa0: {  	v5 =	vld [tilespmem:s10+$0x0];
	v1 =	vadd.s32 $0x21C9, v2  }
0xa1: {  	s0 =	sor.u32 s3, s16  }
0xa2: {  	s24 =	sadd.s32 $0xC080, s21;
	v3 =	vld [tilespmem:s0+$0x0]  }
0xa3: {  	s8 =	sor.u32 s7, s24;
	s11 =	sor.u32 s25, s9  }
0xa4: {  	v4 =	vld [tilespmem:s11+$0x0];
	[tilespmem:s8+$0x0] =	vst v0  }
0xa5: {  	v7 =	vadd.s32 $0x1E08, v5;
	v0 =	vld.idx.msk [tilespmem:v1+s1+$0x0], $0xffff  }
0xa6: {  	v1 =	vadd.s32 $0x258A, v2  }
0xa7: {  	v6 =	vadd.s32 $0x1E08, v3  }
0xa8: {  	s5 =	sadd.s32 $0xC880, s21  }
0xa9: {  	s12 =	sor.u32 s7, s5;
	v9 =	vadd.s32 $0x1E08, v4  }
0xaa: {  	s9 =	simm.s32 $0x20;
	s15 =	simm.s32 $0x200;
	v7 =	vld.idx.msk [tilespmem:v7+s1+$0x0], $0xffff;
	[tilespmem:s12+$0x0] =	vst v0  }
0xab: {  	s16 =	sand.u32 $0x400, s15;
	s17 =	sand.u32 $0x380, s9;
	v10 =	vadd.s32 $0x21C9, v5;
	v0 =	vld.idx.msk [tilespmem:v1+s1+$0x0], $0xffff  }
0xac: {  	s10 =	simm.s32 $0x40;
	s2 =	sor.u32 s17, s16;
	v1 =	vld.idx.msk [tilespmem:v6+s1+$0x0], $0xffff;
	v6 =	vadd.s32 $0x294B, v2  }
0xad: {  	s18 =	sadd.s32 $0xC080, s4;
	s31 =	sand.u32 $0x60, s10;
	s22 =	sadd.s32 $0x7880, s2;
	v8 =	vadd.s32 $0x21C9, v3  }
0xae: {  	s23 =	sor.u32 s28, s18;
	s10 =	sor.u32 s31, s22;
	v9 =	vld.idx.msk [tilespmem:v9+s1+$0x0], $0xffff;
	s8 =	sadd.s32 $0xD080, s21  }
0xaf: {  	[tilespmem:s23+$0x0] =	vst v7;
	v7 =	vld [tilespmem:s10+$0x0];
	s14 =	sor.u32 s7, s8  }
0xb0: {  	s13 =	sor.u32 s3, s24;
	v10 =	vld.idx.msk [tilespmem:v10+s1+$0x0], $0xffff;
	[tilespmem:s14+$0x0] =	vst v0  }
0xb1: {  	s0 =	sor.u32 $0x10, s31;
	v12 =	vadd.s32 $0x21C9, v4;
	[tilespmem:s13+$0x0] =	vst v1;
	v1 =	vld.idx.msk [tilespmem:v6+s1+$0x0], $0xffff  }
0xb2: {  	s11 =	sor.u32 s0, s22;
	v6 =	vld.idx.msk [tilespmem:v8+s1+$0x0], $0xffff;
	v8 =	vadd.s32 $0x2D0C, v2  }
0xb3: {  	v11 =	vadd.s32 $0x258A, v3;
	s12 =	sadd.s32 $0xC880, s4;
	v0 =	vld [tilespmem:s11+$0x0];
	s11 =	sor.u32 s25, s18  }
0xb4: {  	s6 =	sadd.s32 $0xD880, s21;
	s13 =	sor.u32 s28, s12;
	[tilespmem:s11+$0x0] =	vst v9  }
0xb5: {  	s24 =	sor.u32 s7, s6;
	[tilespmem:s13+$0x0] =	vst v10  }
0xb6: {  	s5 =	sor.u32 s3, s5;
	v10 =	vadd.s32 $0x1E08, v7;
	v9 =	vld.idx.msk [tilespmem:v12+s1+$0x0], $0xffff;
	[tilespmem:s24+$0x0] =	vst v1  }
0xb7: {  	v1 =	vadd.s32 $0x258A, v5;
	[tilespmem:s5+$0x0] =	vst v6;
	v8 =	vld.idx.msk [tilespmem:v8+s1+$0x0], $0xffff  }
0xb8: {  	v13 =	vadd.s32 $0x1E08, v0;
	v11 =	vld.idx.msk [tilespmem:v11+s1+$0x0], $0xffff  }
0xb9: {  	v6 =	vadd.s32 $0x30CD, v2  }
0xba: {  	s15 =	sor.u32 s25, s12;
	v12 =	vadd.s32 $0x258A, v4;
	s5 =	sadd.s32 $0xE080, s21  }
0xbb: {  	v14 =	vadd.s32 $0x294B, v3;
	s14 =	sor.u32 s7, s5;
	[tilespmem:s15+$0x0] =	vst v9;
	v9 =	vld.idx.msk [tilespmem:v10+s1+$0x0], $0xffff  }
0xbc: {  	s17 =	simm.s32 $0x300;
	s8 =	sor.u32 s3, s8;
	s18 =	simm.s32 $0x30;
	v1 =	vld.idx.msk [tilespmem:v1+s1+$0x0], $0xffff;
	[tilespmem:s14+$0x0] =	vst v8  }
0xbd: {  	s16 =	simm.s32 $0x60;
	s22 =	sand.u32 $0x400, s17;
	v8 =	vadd.s32 $0x294B, v5;
	[tilespmem:s8+$0x0] =	vst v11;
	v11 =	vld.idx.msk [tilespmem:v13+s1+$0x0], $0xffff;
	s8 =	sand.u32 $0x380, s18  }
0xbe: {  	s13 =	sand.u32 $0x60, s16;
	v15 =	vadd.s32 $0x21C9, v0;
	v6 =	vld.idx.msk [tilespmem:v6+s1+$0x0], $0xffff;
	s14 =	sor.u32 s8, s22  }
0xbf: {  	s10 =	sadd.s32 $0xD080, s4;
	s15 =	sor.u32 $0x10, s13;
	v10 =	vld.idx.msk [tilespmem:v12+s1+$0x0], $0xffff;
	v13 =	vadd.s32 $0x348E, v2;
	s16 =	sadd.s32 $0x7880, s14  }
0xc0: {  	s23 =	sadd.s32 $0xC080, s2;
	s12 =	sor.u32 s28, s10;
	v14 =	vld.idx.msk [tilespmem:v14+s1+$0x0], $0xffff;
	s17 =	sor.u32 s15, s16  }
0xc1: {  	s9 =	sadd.s32 $0xE880, s21;
	s11 =	sor.u32 s0, s23;
	v12 =	vadd.s32 $0x2D0C, v3;
	[tilespmem:s12+$0x0] =	vst v1;
	v1 =	vld [tilespmem:s17+$0x0]  }
0xc2: {  	s24 =	sor.u32 s7, s9;
	v8 =	vld.idx.msk [tilespmem:v8+s1+$0x0], $0xffff;
	[tilespmem:s11+$0x0] =	vst v11  }
0xc3: {  	[tilespmem:s24+$0x0] =	vst v6;
	v6 =	vadd.s32 $0x2D0C, v5;
	v15 =	vld.idx.msk [tilespmem:v15+s1+$0x0], $0xffff  }
0xc4: {  	s6 =	sor.u32 s3, s6;
	s11 =	sor.u32 s13, s16;
	v11 =	vld.idx.msk [tilespmem:v13+s1+$0x0], $0xffff;
	v13 =	vadd.s32 $0x21C9, v7  }
0xc5: {  	v16 =	vadd.s32 $0x294B, v4;
	s22 =	sor.u32 s31, s23;
	s16 =	sadd.s32 $0xD880, s4;
	[tilespmem:s6+$0x0] =	vst v14;
	v17 =	vld [tilespmem:s11+$0x0]  }
0xc6: {  	[tilespmem:s22+$0x0] =	vst v9;
	s18 =	sor.u32 s28, s16;
	v14 =	vadd.s32 $0x258A, v0;
	v12 =	vld.idx.msk [tilespmem:v12+s1+$0x0], $0xffff  }
0xc7: {  	v2 =	vadd.s32 $0x384F, v2;
	s23 =	sor.u32 s25, s10;
	s24 =	sadd.s32 $0xC880, s2;
	[tilespmem:s18+$0x0] =	vst v8  }
0xc8: {  	s10 =	sadd.s32 $0xF080, s21;
	[tilespmem:s23+$0x0] =	vst v10;
	s12 =	sor.u32 s0, s24;
	v8 =	vadd.s32 $0x30CD, v3;
	v6 =	vld.idx.msk [tilespmem:v6+s1+$0x0], $0xffff  }
0xc9: {  	v10 =	vadd.s32 $0x30CD, v5;
	s11 =	sor.u32 s7, s10;
	[tilespmem:s12+$0x0] =	vst v15;
	v9 =	vld.idx.msk [tilespmem:v13+s1+$0x0], $0xffff  }
0xca: {  	s5 =	sor.u32 s3, s5;
	v13 =	vld.idx.msk [tilespmem:v16+s1+$0x0], $0xffff;
	[tilespmem:s11+$0x0] =	vst v11;
	v11 =	vadd.s32 $0x1E08, v1  }
0xcb: {  	v15 =	vadd.s32 $0x1E08, v17;
	s11 =	sadd.s32 $0xE080, s4;
	[tilespmem:s5+$0x0] =	vst v12;
	v12 =	vld.idx.msk [tilespmem:v14+s1+$0x0], $0xffff  }
0xcc: {  	v16 =	vadd.s32 $0x258A, v7;
	v2 =	vld.idx.msk [tilespmem:v2+s1+$0x0], $0xffff;
	s17 =	sor.u32 s28, s11  }
0xcd: {  	v14 =	vadd.s32 $0x294B, v0;
	v8 =	vld.idx.msk [tilespmem:v8+s1+$0x0], $0xffff;
	[tilespmem:s17+$0x0] =	vst v6  }
0xce: {  	s8 =	sadd.s32 $0xE880, s4;
	v6 =	vadd.s32 $0x2D0C, v4;
	v10 =	vld.idx.msk [tilespmem:v10+s1+$0x0], $0xffff  }
0xcf: {  	v18 =	vadd.s32 $0x348E, v5;
	s6 =	simm.s32 $0x40;
	s22 =	sor.u32 s31, s24;
	s17 =	sadd.s32 $0xD080, s2;
	v11 =	vld.idx.msk [tilespmem:v11+s1+$0x0], $0xffff  }
0xd0: {  	s18 =	sor.u32 s25, s16;
	s16 =	simm.s32 $0x80;
	[tilespmem:s22+$0x0] =	vst v9;
	v9 =	vld.idx.msk [tilespmem:v15+s1+$0x0], $0xffff;
	s23 =	sor.u32 s0, s17;
	v15 =	vadd.s32 $0x21C9, v1  }
0xd1: {  	s24 =	sand.u32 $0x380, s6;
	s16 =	sand.u32 $0x60, s16;
	s5 =	simm.s32 $0x400;
	v16 =	vld.idx.msk [tilespmem:v16+s1+$0x0], $0xffff;
	[tilespmem:s23+$0x0] =	vst v12  }
0xd2: {  	[tilespmem:s18+$0x0] =	vst v13;
	s18 =	sadd.s32 $0xC080, s14;
	s22 =	sor.u32 s28, s8;
	s23 =	sand.u32 $0x400, s5;
	v12 =	vld.idx.msk [tilespmem:v14+s1+$0x0], $0xffff  }
0xd3: {  	v13 =	vadd.s32 $0x348E, v3;
	s12 =	sor.u32 s15, s18;
	s18 =	sor.u32 s13, s18;
	s23 =	sor.u32 s24, s23;
	v19 =	vld.idx.msk [tilespmem:v6+s1+$0x0], $0xffff;
	[tilespmem:s22+$0x0] =	vst v10  }
0xd4: {  	s24 =	sadd.s32 $0x7880, s23;
	v6 =	vadd.s32 $0x2D0C, v0;
	s22 =	sadd.s32 $0xF880, s21;
	s21 =	sor.u32 $0x10, s16;
	[tilespmem:s12+$0x0] =	vst v11;
	v10 =	vld.idx.msk [tilespmem:v18+s1+$0x0], $0xffff  }
0xd5: {  	[tilespmem:s18+$0x0] =	vst v9;
	s7 =	sor.u32 s7, s22;
	s12 =	sor.u32 s21, s24;
	v14 =	vld.idx.msk [tilespmem:v15+s1+$0x0], $0xffff;
	v15 =	vadd.s32 $0x294B, v7  }
0xd6: {  	v11 =	vadd.s32 $0x21C9, v17;
	[tilespmem:s7+$0x0] =	vst v2;
	s7 =	sor.u32 s3, s9;
	s9 =	sor.u32 s16, s24;
	v2 =	vld [tilespmem:s12+$0x0];
	s24 =	sadd.s32 $0xD880, s2  }
0xd7: {  	v5 =	vadd.s32 $0x384F, v5;
	[tilespmem:s7+$0x0] =	vst v8;
	v25 =	vld [tilespmem:s9+$0x0];
	s12 =	sor.u32 s0, s24  }
0xd8: {  	v8 =	vld.idx.msk [tilespmem:v13+s1+$0x0], $0xffff;
	v13 =	vadd.s32 $0x258A, v1;
	[tilespmem:s12+$0x0] =	vst v12;
	s12 =	sor.u32 s31, s17  }
0xd9: {  	s11 =	sor.u32 s25, s11;
	s9 =	sadd.s32 $0xF080, s4;
	v12 =	vadd.s32 $0x30CD, v4;
	v18 =	vld.idx.msk [tilespmem:v6+s1+$0x0], $0xffff;
	[tilespmem:s12+$0x0] =	vst v16  }
0xda: {  	v20 =	vadd.s32 $0x384F, v3;
	s7 =	sadd.s32 $0xC880, s14;
	s17 =	sor.u32 s28, s9;
	[tilespmem:s11+$0x0] =	vst v19;
	v27 =	vld.idx.msk [tilespmem:v15+s1+$0x0], $0xffff  }
0xdb: {  	v28 =	vadd.s32 $0x30CD, v0;
	v3 =	vadd.s32 $0x384F, v4;
	v9 =	vadd.s32 $0x30CD, v7;
	s18 =	sor.u32 s15, s7;
	v22 =	vld.idx.msk [tilespmem:v11+s1+$0x0], $0xffff;
	[tilespmem:s17+$0x0] =	vst v10  }
0xdc: {  	v11 =	vadd.s32 $0x348E, v4;
	v6 =	vadd.s32 $0x348E, v7;
	[tilespmem:s18+$0x0] =	vst v14;
	s17 =	sor.u32 s3, s10;
	s18 =	sadd.s32 $0xE080, s2;
	v29 =	vadd.s32 $0x1E08, v2;
	v30 =	vld.idx.msk [tilespmem:v5+s1+$0x0], $0xffff  }
0xdd: {  	v4 =	vadd.s32 $0x384F, v7;
	v16 =	vadd.s32 $0x258A, v17;
	v31 =	vadd.s32 $0x1E08, v25;
	v21 =	vld.idx.msk [tilespmem:v13+s1+$0x0], $0xffff;
	[tilespmem:s17+$0x0] =	vst v8;
	s17 =	sor.u32 s0, s18  }
0xde: {  	s12 =	sor.u32 s3, s22;
	s22 =	sor.u32 s31, s24;
	v14 =	vadd.s32 $0x2D0C, v7;
	v15 =	vadd.s32 $0x294B, v17;
	v10 =	vadd.s32 $0x30CD, v17;
	v24 =	vld.idx.msk [tilespmem:v12+s1+$0x0], $0xffff;
	[tilespmem:s17+$0x0] =	vst v18  }
0xdf: {  	s4 =	sadd.s32 $0xF880, s4;
	s11 =	sor.u32 s25, s8;
	s7 =	sor.u32 s13, s7;
	v5 =	vadd.s32 $0x384F, v17;
	v19 =	vadd.s32 $0x21C9, v25;
	v23 =	vld.idx.msk [tilespmem:v20+s1+$0x0], $0xffff;
	[tilespmem:s22+$0x0] =	vst v27;
	v27 =	vadd.s32 $0x294B, v1  }
0xe0: {  	s28 =	sor.u32 s28, s4;
	s24 =	sadd.s32 $0xD080, s14;
	s10 =	simm.s32 $0x8;
	v26 =	vadd.s32 $0x258A, v25;
	v7 =	vadd.s32 $0x384F, v25;
	v13 =	vadd.s32 $0x2D0C, v17;
	[tilespmem:s7+$0x0] =	vst v22;
	v22 =	vld.idx.msk [tilespmem:v28+s1+$0x0], $0xffff  }
0xe1: {  	s3 =	sor.u32 s25, s4;
	s4 =	simm.s32 $0xA0;
	s8 =	sor.u32 s15, s24;
	v8 =	vadd.s32 $0x348E, v17;
	v12 =	vadd.s32 $0x30CD, v25;
	v17 =	vadd.s32 $0x348E, v25;
	v28 =	vld.idx.msk [tilespmem:v29+s1+$0x0], $0xffff  }
0xe2: {  	s7 =	sor.u32 s25, s9;
	v18 =	vadd.s32 $0x294B, v25;
	s9 =	sor.u32 s31, s18;
	v20 =	vadd.s32 $0x2D0C, v25;
	s25 =	sor.u32 s13, s24;
	v25 =	vadd.s32 $0x348E, v0;
	[tilespmem:s28+$0x0] =	vst v30;
	v29 =	vld.idx.msk [tilespmem:v31+s1+$0x0], $0xffff  }
.LBB2_4:
0xe3: {  	s28 =	sand.u32 $0x60, s4;
	v30 =	vadd.s32 $0x21C9, v2;
	s5 =	sadd.s32 $0x100, s5;
	s6 =	sadd.s32 $0x10, s6;
	v31 =	vld.idx.msk [tilespmem:v16+s1+$0x0], $0xffff;
	[tilespmem:s8+$0x0] =	vst v21;
	v16 =	vmov v26  }
0xe4: {  	s18 =	sadd.s32 $0xE880, s2;
	s8 =	sand.u32 $0x400, s5;
	s17 =	sand.u32 $0x380, s6;
	v21 =	vld.idx.msk [tilespmem:v27+s1+$0x0], $0xffff;
	[tilespmem:s11+$0x0] =	vst v24  }
0xe5: {  	s10 =	sadd.s32 $0x2, s10;
	s11 =	sadd.s32 $0xC080, s23;
	s22 =	sor.u32 s0, s18;
	v24 =	vld.idx.msk [tilespmem:v14+s1+$0x0], $0xffff;
	[tilespmem:s12+$0x0] =	vst v23;
	v14 =	vmov v13;
	v13 =	vmov v20  }
0xe6: {  	p0 =	slt.u32 s10, $0x7E;
	s12 =	sor.u32 s17, s8;
	s8 =	sor.u32 s21, s11;
	v20 =	vadd.s32 $0x2D0C, v1;
	[tilespmem:s22+$0x0] =	vst v22;
	v22 =	vld.idx.msk [tilespmem:v11+s1+$0x0], $0xffff;
	v11 =	vmovc v6;
	v6 =	vmov v8;
	v8 =	vmov v17  }
0xe7: {  	s11 =	sor.u32 s16, s11;
	s17 =	sadd.s32 $0x7880, s12;
	s22 =	sor.u32 $0x10, s28;
	[tilespmem:s8+$0x0] =	vst v28;
	v17 =	vld.idx.msk [tilespmem:v25+s1+$0x0], $0xffff  }
0xe8: {  	s24 =	sor.u32 s28, s17;
	s17 =	sor.u32 s22, s17;
	[tilespmem:s11+$0x0] =	vst v29;
	v23 =	vld.idx.msk [tilespmem:v30+s1+$0x0], $0xffff;
	s11 =	sadd.s32 $0xD880, s14  }
0xe9: {  	v25 =	vadd.s32 $0x384F, v0;
	v0 =	vmov v1;
	v1 =	vmov v2;
	[tilespmem:s25+$0x0] =	vst v31;
	s8 =	sor.u32 s13, s11;
	s25 =	sor.u32 s15, s11;
	s11 =	sor.u32 s31, s18;
	v2 =	vld [tilespmem:s17+$0x0]  }
0xea: {  	v28 =	vadd.s32 $0x258A, v1;
	v27 =	vld [tilespmem:s24+$0x0];
	[tilespmem:s25+$0x0] =	vst v21;
	s25 =	smov.u32 s31;
	s31 =	smov.u32 s13;
	s13 =	smov.u32 s16  }
0xeb: {  	s17 =	smov.u32 s23;
	s16 =	smov.u32 s28;
	v29 =	vld.idx.msk [tilespmem:v20+s1+$0x0], $0xffff;
	[tilespmem:s9+$0x0] =	vst v24;
	s9 =	sadd.s32 $0xF080, s2  }
0xec: {  	s18 =	sadd.s32 $0xC880, s17;
	v30 =	vld.idx.msk [tilespmem:v19+s1+$0x0], $0xffff;
	s23 =	sor.u32 s0, s9;
	[tilespmem:s7+$0x0] =	vst v22;
	s7 =	sor.u32 s25, s9  }
0xed: {  	s24 =	sor.u32 s13, s18;
	s9 =	sor.u32 s21, s18;
	v22 =	vadd.s32 $0x30CD, v0;
	v31 =	vld.idx.msk [tilespmem:v15+s1+$0x0], $0xffff;
	[tilespmem:s23+$0x0] =	vst v17;
	v15 =	vmov v18;
	s23 =	smov.u32 s12  }
0xee: {  	s18 =	smov.u32 s0;
	s0 =	smov.u32 s15;
	s15 =	smov.u32 s21;
	v32 =	vadd.s32 $0x1E08, v2;
	[tilespmem:s9+$0x0] =	vst v23;
	v33 =	vld.idx.msk [tilespmem:v25+s1+$0x0], $0xffff  }
0xef: {  	s28 =	sadd.s32 $0xE080, s14;
	s21 =	smov.u32 s22;
	s12 =	smov.u32 s3;
	v25 =	vadd.s32 $0x1E08, v27;
	v19 =	vadd.s32 $0x21C9, v27;
	v26 =	vadd.s32 $0x258A, v27;
	v21 =	vld.idx.msk [tilespmem:v28+s1+$0x0], $0xffff  }
.Ltmp1:
0xf0: {  	s3 =	sor.u32 s0, s28;
	s9 =	sor.u32 s31, s28;
	v18 =	vadd.s32 $0x294B, v27;
	v20 =	vadd.s32 $0x2D0C, v27;
	v24 =	vld.idx.msk [tilespmem:v9+s1+$0x0], $0xffff;
	v9 =	vmovc v10;
	v10 =	vmovc v12;
	v12 =	vadd.s32 $0x30CD, v27;
	(pc) =	sbr.rel @p0 .LBB2_4-.Ltmp1, $4  }
0xf1: {  	v17 =	vadd.s32 $0x348E, v27;
	v28 =	vadd.s32 $0x384F, v27;
	v27 =	vadd.s32 $0x294B, v1;
	[tilespmem:s3+$0x0] =	vst v29;
	v23 =	vld.idx.msk [tilespmem:v3+s1+$0x0], $0xffff;
	v3 =	vmovc v4;
	v4 =	vmovc v5  }
0xf2: {  	s22 =	sadd.s32 $0xF880, s2;
	s2 =	smov.u32 s14;
	s14 =	smov.u32 s17;
	v5 =	vmov v7;
	v7 =	vmov v28;
	[tilespmem:s24+$0x0] =	vst v30;
	v22 =	vld.idx.msk [tilespmem:v22+s1+$0x0], $0xffff  }
0xf3: {  	s17 =	sadd.s32 $0xD080, s14;
	s18 =	sor.u32 s18, s22;
	s3 =	sor.u32 s25, s22;
	v28 =	vld.idx.msk [tilespmem:v32+s1+$0x0], $0xffff;
	[tilespmem:s8+$0x0] =	vst v31  }
0xf4: {  	s4 =	sadd.s32 $0x20, s4;
	s25 =	sor.u32 s13, s17;
	s8 =	sor.u32 s15, s17;
	v29 =	vld.idx.msk [tilespmem:v25+s1+$0x0], $0xffff;
	v25 =	vadd.s32 $0x348E, v0;
	[tilespmem:s18+$0x0] =	vst v33  }
0xf5: {  	v30 =	vadd.s32 $0x21C9, v2;
	_ =	sdelay $0x1  }
0xf6: {  	s4 =	sadd.s32 $0xC080, s23  }
0xf7: {  	s5 =	sor.u32 s21, s4  }
0xf8: {  	s4 =	sor.u32 s16, s4;
	[tilespmem:s5+$0x0] =	vst v28  }
0xf9: {  	[tilespmem:s4+$0x0] =	vst v29;
	v28 =	vld.idx.msk [tilespmem:v30+s1+$0x0], $0xffff  }
0xfa: {  	v29 =	vadd.s32 $0x258A, v2;
	v19 =	vld.idx.msk [tilespmem:v19+s1+$0x0], $0xffff;
	_ =	sdelay $0x1  }
0xfb: {  	s28 =	sadd.s32 $0xC880, s23  }
0xfc: {  	v16 =	vld.idx.msk [tilespmem:v16+s1+$0x0], $0xffff;
	s6 =	sor.u32 s21, s28  }
0xfd: {  	s4 =	sor.u32 s16, s28;
	[tilespmem:s6+$0x0] =	vst v28  }
0xfe: {  	[tilespmem:s4+$0x0] =	vst v19;
	v28 =	vld.idx.msk [tilespmem:v29+s1+$0x0], $0xffff  }
0xff: {  	v29 =	vadd.s32 $0x294B, v2;
	v19 =	vld.idx.msk [tilespmem:v26+s1+$0x0], $0xffff  }
0x100: {  	[tilespmem:s8+$0x0] =	vst v21  }
0x101: {  	s8 =	sadd.s32 $0xD080, s23;
	v14 =	vld.idx.msk [tilespmem:v14+s1+$0x0], $0xffff;
	[tilespmem:s25+$0x0] =	vst v16  }
0x102: {  	[tilespmem:s11+$0x0] =	vst v24;
	s10 =	sor.u32 s21, s8;
	v15 =	vld.idx.msk [tilespmem:v15+s1+$0x0], $0xffff  }
0x103: {  	v21 =	vld.idx.msk [tilespmem:v27+s1+$0x0], $0xffff;
	s4 =	sor.u32 s16, s8;
	[tilespmem:s10+$0x0] =	vst v28  }
0x104: {  	v24 =	vadd.s32 $0x2D0C, v1;
	[tilespmem:s4+$0x0] =	vst v19;
	v16 =	vld.idx.msk [tilespmem:v29+s1+$0x0], $0xffff  }
0x105: {  	s11 =	sadd.s32 $0xD880, s14;
	[tilespmem:s12+$0x0] =	vst v23;
	v26 =	vadd.s32 $0x2D0C, v2;
	v18 =	vld.idx.msk [tilespmem:v18+s1+$0x0], $0xffff  }
0x106: {  	s5 =	sor.u32 s13, s11;
	[tilespmem:s9+$0x0] =	vst v14  }
0x107: {  	s17 =	sadd.s32 $0xD880, s23;
	v11 =	vld.idx.msk [tilespmem:v11+s1+$0x0], $0xffff;
	s6 =	sor.u32 s15, s11;
	[tilespmem:s5+$0x0] =	vst v15  }
0x108: {  	s18 =	sor.u32 s21, s17;
	[tilespmem:s6+$0x0] =	vst v21;
	v13 =	vld.idx.msk [tilespmem:v13+s1+$0x0], $0xffff  }
0x109: {  	s22 =	sor.u32 s16, s17;
	s4 =	sadd.s32 $0xE880, s2;
	v19 =	vld.idx.msk [tilespmem:v24+s1+$0x0], $0xffff;
	[tilespmem:s18+$0x0] =	vst v16  }
0x10a: {  	v21 =	vadd.s32 $0x30CD, v1;
	s12 =	sor.u32 s0, s4;
	[tilespmem:s22+$0x0] =	vst v18;
	v15 =	vld.idx.msk [tilespmem:v26+s1+$0x0], $0xffff  }
0x10b: {  	s24 =	sadd.s32 $0xE080, s14;
	[tilespmem:s12+$0x0] =	vst v22;
	v16 =	vadd.s32 $0x30CD, v2;
	v14 =	vld.idx.msk [tilespmem:v20+s1+$0x0], $0xffff  }
0x10c: {  	[tilespmem:s7+$0x0] =	vst v11;
	s6 =	sor.u32 s13, s24;
	v18 =	vld.idx.msk [tilespmem:v25+s1+$0x0], $0xffff  }
0x10d: {  	v0 =	vadd.s32 $0x384F, v0;
	s28 =	sadd.s32 $0xE080, s23;
	s25 =	sor.u32 s15, s24;
	v9 =	vld.idx.msk [tilespmem:v9+s1+$0x0], $0xffff;
	[tilespmem:s6+$0x0] =	vst v13  }
0x10e: {  	s8 =	sor.u32 s21, s28;
	v10 =	vld.idx.msk [tilespmem:v10+s1+$0x0], $0xffff;
	[tilespmem:s25+$0x0] =	vst v19  }
0x10f: {  	s7 =	sadd.s32 $0xF080, s2;
	s5 =	sor.u32 s16, s28;
	v11 =	vld.idx.msk [tilespmem:v21+s1+$0x0], $0xffff;
	[tilespmem:s8+$0x0] =	vst v15  }
0x110: {  	s9 =	sor.u32 s0, s7;
	v19 =	vadd.s32 $0x348E, v1;
	[tilespmem:s5+$0x0] =	vst v14;
	v13 =	vld.idx.msk [tilespmem:v16+s1+$0x0], $0xffff  }
0x111: {  	s10 =	sadd.s32 $0xE880, s14;
	s4 =	sor.u32 s31, s4;
	[tilespmem:s9+$0x0] =	vst v18;
	v15 =	vadd.s32 $0x348E, v2;
	v12 =	vld.idx.msk [tilespmem:v12+s1+$0x0], $0xffff  }
0x112: {  	[tilespmem:s4+$0x0] =	vst v9;
	s18 =	sor.u32 s13, s10;
	v0 =	vld.idx.msk [tilespmem:v0+s1+$0x0], $0xffff  }
0x113: {  	s11 =	sor.u32 s15, s10;
	s12 =	sadd.s32 $0xE880, s23;
	v6 =	vld.idx.msk [tilespmem:v6+s1+$0x0], $0xffff;
	[tilespmem:s18+$0x0] =	vst v10  }
0x114: {  	s17 =	sor.u32 s21, s12;
	v8 =	vld.idx.msk [tilespmem:v8+s1+$0x0], $0xffff;
	[tilespmem:s11+$0x0] =	vst v11  }
0x115: {  	s24 =	sor.u32 s16, s12;
	s22 =	sadd.s32 $0xF880, s2;
	v9 =	vld.idx.msk [tilespmem:v19+s1+$0x0], $0xffff;
	[tilespmem:s17+$0x0] =	vst v13  }
0x116: {  	v1 =	vadd.s32 $0x384F, v1;
	s25 =	sor.u32 s0, s22;
	[tilespmem:s24+$0x0] =	vst v12;
	v10 =	vld.idx.msk [tilespmem:v15+s1+$0x0], $0xffff  }
0x117: {  	s7 =	sor.u32 s31, s7;
	s28 =	sadd.s32 $0xF080, s14;
	v2 =	vadd.s32 $0x384F, v2;
	[tilespmem:s25+$0x0] =	vst v0;
	v0 =	vld.idx.msk [tilespmem:v17+s1+$0x0], $0xffff  }
0x118: {  	v3 =	vld.idx.msk [tilespmem:v3+s1+$0x0], $0xffff;
	[tilespmem:s7+$0x0] =	vst v6;
	s5 =	sor.u32 s13, s28  }
0x119: {  	s6 =	sor.u32 s15, s28;
	v4 =	vld.idx.msk [tilespmem:v4+s1+$0x0], $0xffff;
	s8 =	sadd.s32 $0xF080, s23;
	[tilespmem:s5+$0x0] =	vst v8  }
0x11a: {  	s9 =	sor.u32 s21, s8;
	v5 =	vld.idx.msk [tilespmem:v5+s1+$0x0], $0xffff;
	[tilespmem:s6+$0x0] =	vst v9  }
0x11b: {  	s0 =	sor.u32 s16, s8;
	v1 =	vld.idx.msk [tilespmem:v1+s1+$0x0], $0xffff;
	[tilespmem:s9+$0x0] =	vst v10  }
0x11c: {  	[tilespmem:s0+$0x0] =	vst v0;
	v2 =	vld.idx.msk [tilespmem:v2+s1+$0x0], $0xffff  }
0x11d: {  	[tilespmem:s3+$0x0] =	vst v3;
	s10 =	sadd.s32 $0xF880, s14;
	s2 =	sor.u32 s31, s22;
	v0 =	vld.idx.msk [tilespmem:v7+s1+$0x0], $0xffff  }
0x11e: {  	s11 =	sor.u32 s15, s10;
	s15 =	sor.u32 s13, s10;
	[tilespmem:s2+$0x0] =	vst v4  }
0x11f: {  	s12 =	sadd.s32 $0xF880, s23;
	[tilespmem:s15+$0x0] =	vst v5  }
0x120: {  	s14 =	sor.u32 s21, s12;
	[tilespmem:s11+$0x0] =	vst v1  }
0x121: {  	s18 =	simm.s32 $0x0;
	s0 =	sor.u32 s16, s12;
	[tilespmem:s14+$0x0] =	vst v2  }
0x122: {  	s22 =	sand.u32 $0x380, s18;
	s23 =	simm.s32 $0x3;
	[tilespmem:s0+$0x0] =	vst v0  }
0x123: {  	s21 =	sand.u32 $0x400, s18;
	s17 =	simm.s32 $0xC080;
	s0 =	rddreg [dreg:$0xa]  }
0x124: {  	[hbm4b:s0+s19] =	stream.strided.scatter [tilespmem:s17], [sflag:$0x5], $0x4000, s20, s19, $0x38;
	[tilespmem:$0x18080] =	vst v63  }
0x125: {  	s3 =	sand.u32 $0x60, s18;
	s21 =	sor.u32 s22, s21;
	_ =	swait.ge [sflag:s23], $0x1E08  }
0x126: {  	s7 =	sor.u32 $0x10, s3;
	s24 =	sadd.s32 $0x7880, s21;
	[sflag:s23] =	ssyncset.done $0x0  }
0x127: {  	s25 =	sor.u32 s7, s24;
	[sflag:s23] =	ssyncadd.s32 $0xFFFFE1F8  }
0x128: {  	v2 =	vld [tilespmem:s25+$0x0];
	_ =	sdelay $0x3  }
0x129: {  	s5 =	simm.s32 $0x100;
	s6 =	simm.s32 $0x10  }
0x12a: {  	s28 =	simm.s32 $0x20;
	s4 =	sand.u32 $0x400, s5;
	s5 =	sand.u32 $0x380, s6;
	v0 =	vadd.s32 $0x3C10, v2  }
0x12b: {  	s4 =	sor.u32 s5, s4;
	s25 =	sand.u32 $0x60, s28  }
0x12c: {  	s10 =	sadd.s32 $0x7880, s4;
	s28 =	sor.u32 $0x10, s25  }
0x12d: {  	s11 =	sor.u32 s28, s10  }
0x12e: {  	v5 =	vld [tilespmem:s11+$0x0]  }
0x12f: {  	v0 =	vld.idx.msk [tilespmem:v0+s1+$0x0], $0xffff  }
0x130: {  	v1 =	vadd.s32 $0x3FD1, v2  }
0x131: {  	s0 =	sor.u32 s3, s24  }
0x132: {  	s8 =	sadd.s32 $0x10080, s21;
	v3 =	vld [tilespmem:s0+$0x0]  }
0x133: {  	s9 =	sor.u32 s7, s8;
	s12 =	sor.u32 s25, s10  }
0x134: {  	v4 =	vld [tilespmem:s12+$0x0];
	v7 =	vadd.s32 $0x3C10, v5;
	[tilespmem:s9+$0x0] =	vst v0  }
0x135: {  	v0 =	vld.idx.msk [tilespmem:v1+s1+$0x0], $0xffff  }
0x136: {  	v1 =	vadd.s32 $0x4392, v2  }
0x137: {  	v6 =	vadd.s32 $0x3C10, v3  }
0x138: {  	s5 =	sadd.s32 $0x10880, s21  }
0x139: {  	s13 =	sor.u32 s7, s5;
	v9 =	vadd.s32 $0x3C10, v4;
	v7 =	vld.idx.msk [tilespmem:v7+s1+$0x0], $0xffff  }
0x13a: {  	s16 =	simm.s32 $0x200;
	v10 =	vadd.s32 $0x3FD1, v5;
	[tilespmem:s13+$0x0] =	vst v0  }
0x13b: {  	s18 =	sand.u32 $0x400, s16;
	s17 =	simm.s32 $0x20;
	v0 =	vld.idx.msk [tilespmem:v1+s1+$0x0], $0xffff  }
0x13c: {  	s14 =	sor.u32 s3, s8;
	s22 =	sand.u32 $0x380, s17;
	s23 =	sadd.s32 $0x10080, s4;
	v1 =	vld.idx.msk [tilespmem:v6+s1+$0x0], $0xffff;
	v6 =	vadd.s32 $0x4753, v2  }
0x13d: {  	s2 =	sor.u32 s22, s18;
	s10 =	simm.s32 $0x40;
	s12 =	sor.u32 s28, s23;
	v8 =	vadd.s32 $0x3FD1, v3  }
0x13e: {  	s8 =	sadd.s32 $0x11080, s21;
	s24 =	sadd.s32 $0x7880, s2;
	s31 =	sand.u32 $0x60, s10;
	v9 =	vld.idx.msk [tilespmem:v9+s1+$0x0], $0xffff;
	[tilespmem:s12+$0x0] =	vst v7  }
0x13f: {  	s15 =	sor.u32 s7, s8;
	s10 =	sor.u32 s31, s24;
	v10 =	vld.idx.msk [tilespmem:v10+s1+$0x0], $0xffff  }
0x140: {  	v7 =	vld [tilespmem:s10+$0x0];
	[tilespmem:s15+$0x0] =	vst v0  }
0x141: {  	s0 =	sor.u32 $0x10, s31;
	v12 =	vadd.s32 $0x3FD1, v4;
	[tilespmem:s14+$0x0] =	vst v1;
	v1 =	vld.idx.msk [tilespmem:v6+s1+$0x0], $0xffff  }
0x142: {  	s16 =	sadd.s32 $0x10880, s4;
	s13 =	sor.u32 s0, s24;
	v6 =	vld.idx.msk [tilespmem:v8+s1+$0x0], $0xffff;
	v8 =	vadd.s32 $0x4B14, v2  }
0x143: {  	s17 =	sor.u32 s28, s16;
	v11 =	vadd.s32 $0x4392, v3;
	v0 =	vld [tilespmem:s13+$0x0]  }
0x144: {  	s6 =	sadd.s32 $0x11880, s21;
	[tilespmem:s17+$0x0] =	vst v10;
	s15 =	sor.u32 s25, s23  }
0x145: {  	s14 =	sor.u32 s7, s6;
	[tilespmem:s15+$0x0] =	vst v9  }
0x146: {  	s5 =	sor.u32 s3, s5;
	v10 =	vadd.s32 $0x3C10, v7;
	v9 =	vld.idx.msk [tilespmem:v12+s1+$0x0], $0xffff;
	[tilespmem:s14+$0x0] =	vst v1  }
0x147: {  	v1 =	vadd.s32 $0x4392, v5;
	[tilespmem:s5+$0x0] =	vst v6;
	v8 =	vld.idx.msk [tilespmem:v8+s1+$0x0], $0xffff  }
0x148: {  	v13 =	vadd.s32 $0x3C10, v0;
	v11 =	vld.idx.msk [tilespmem:v11+s1+$0x0], $0xffff  }
0x149: {  	v6 =	vadd.s32 $0x4ED5, v2  }
0x14a: {  	s22 =	sor.u32 s25, s16;
	v12 =	vadd.s32 $0x4392, v4;
	s5 =	sadd.s32 $0x12080, s21  }
0x14b: {  	v14 =	vadd.s32 $0x4753, v3;
	s18 =	sor.u32 s7, s5;
	[tilespmem:s22+$0x0] =	vst v9;
	v9 =	vld.idx.msk [tilespmem:v10+s1+$0x0], $0xffff  }
0x14c: {  	s8 =	sor.u32 s3, s8;
	s13 =	simm.s32 $0x300;
	s14 =	simm.s32 $0x30;
	v1 =	vld.idx.msk [tilespmem:v1+s1+$0x0], $0xffff;
	[tilespmem:s18+$0x0] =	vst v8  }
0x14d: {  	s23 =	simm.s32 $0x60;
	s15 =	sand.u32 $0x400, s13;
	v8 =	vadd.s32 $0x4753, v5;
	[tilespmem:s8+$0x0] =	vst v11;
	v11 =	vld.idx.msk [tilespmem:v13+s1+$0x0], $0xffff;
	s8 =	sand.u32 $0x380, s14  }
0x14e: {  	s13 =	sand.u32 $0x60, s23;
	v15 =	vadd.s32 $0x3FD1, v0;
	v6 =	vld.idx.msk [tilespmem:v6+s1+$0x0], $0xffff;
	s14 =	sor.u32 s8, s15  }
0x14f: {  	s10 =	sadd.s32 $0x11080, s4;
	v10 =	vld.idx.msk [tilespmem:v12+s1+$0x0], $0xffff;
	v13 =	vadd.s32 $0x5296, v2;
	s15 =	sor.u32 $0x10, s13;
	s22 =	sadd.s32 $0x7880, s14  }
0x150: {  	s16 =	sadd.s32 $0x10080, s2;
	s24 =	sor.u32 s28, s10;
	v14 =	vld.idx.msk [tilespmem:v14+s1+$0x0], $0xffff;
	s23 =	sor.u32 s15, s22  }
0x151: {  	s9 =	sadd.s32 $0x12880, s21;
	v12 =	vadd.s32 $0x4B14, v3;
	s18 =	sor.u32 s0, s16;
	[tilespmem:s24+$0x0] =	vst v1;
	v1 =	vld [tilespmem:s23+$0x0]  }
0x152: {  	s17 =	sor.u32 s7, s9;
	v8 =	vld.idx.msk [tilespmem:v8+s1+$0x0], $0xffff;
	[tilespmem:s18+$0x0] =	vst v11  }
0x153: {  	[tilespmem:s17+$0x0] =	vst v6;
	v6 =	vadd.s32 $0x4B14, v5;
	v15 =	vld.idx.msk [tilespmem:v15+s1+$0x0], $0xffff  }
0x154: {  	s6 =	sor.u32 s3, s6;
	s11 =	sor.u32 s13, s22;
	v11 =	vld.idx.msk [tilespmem:v13+s1+$0x0], $0xffff;
	v13 =	vadd.s32 $0x3FD1, v7  }
0x155: {  	v16 =	vadd.s32 $0x4753, v4;
	s12 =	sor.u32 s25, s10;
	s24 =	sadd.s32 $0x11880, s4;
	v17 =	vld [tilespmem:s11+$0x0];
	[tilespmem:s6+$0x0] =	vst v14  }
0x156: {  	[tilespmem:s12+$0x0] =	vst v10;
	s8 =	sor.u32 s28, s24;
	v14 =	vadd.s32 $0x4392, v0;
	v12 =	vld.idx.msk [tilespmem:v12+s1+$0x0], $0xffff  }
0x157: {  	v2 =	vadd.s32 $0x5657, v2;
	s11 =	sor.u32 s31, s16;
	s17 =	sadd.s32 $0x10880, s2;
	[tilespmem:s8+$0x0] =	vst v8  }
0x158: {  	s10 =	sadd.s32 $0x13080, s21;
	[tilespmem:s11+$0x0] =	vst v9;
	s22 =	sor.u32 s0, s17;
	v8 =	vadd.s32 $0x4ED5, v3;
	v6 =	vld.idx.msk [tilespmem:v6+s1+$0x0], $0xffff  }
0x159: {  	v10 =	vadd.s32 $0x4ED5, v5;
	s18 =	sor.u32 s7, s10;
	[tilespmem:s22+$0x0] =	vst v15;
	v9 =	vld.idx.msk [tilespmem:v13+s1+$0x0], $0xffff  }
0x15a: {  	s5 =	sor.u32 s3, s5;
	v13 =	vld.idx.msk [tilespmem:v16+s1+$0x0], $0xffff;
	[tilespmem:s18+$0x0] =	vst v11;
	v11 =	vadd.s32 $0x3C10, v1  }
0x15b: {  	s11 =	sadd.s32 $0x12080, s4;
	v15 =	vadd.s32 $0x3C10, v17;
	[tilespmem:s5+$0x0] =	vst v12;
	v12 =	vld.idx.msk [tilespmem:v14+s1+$0x0], $0xffff  }
0x15c: {  	s23 =	sor.u32 s28, s11;
	v16 =	vadd.s32 $0x4392, v7;
	v2 =	vld.idx.msk [tilespmem:v2+s1+$0x0], $0xffff  }
0x15d: {  	v14 =	vadd.s32 $0x4753, v0;
	s18 =	sor.u32 s31, s17;
	v8 =	vld.idx.msk [tilespmem:v8+s1+$0x0], $0xffff;
	[tilespmem:s23+$0x0] =	vst v6  }
0x15e: {  	s24 =	sor.u32 s25, s24;
	s6 =	simm.s32 $0x40;
	s5 =	simm.s32 $0x400;
	v6 =	vadd.s32 $0x4B14, v4;
	v10 =	vld.idx.msk [tilespmem:v10+s1+$0x0], $0xffff;
	[tilespmem:s18+$0x0] =	vst v9  }
0x15f: {  	s17 =	sadd.s32 $0x11080, s2;
	s23 =	sand.u32 $0x380, s6;
	v11 =	vld.idx.msk [tilespmem:v11+s1+$0x0], $0xffff;
	s18 =	sand.u32 $0x400, s5;
	[tilespmem:s24+$0x0] =	vst v13;
	v13 =	vadd.s32 $0x5296, v3  }
0x160: {  	s22 =	sor.u32 s0, s17;
	v9 =	vld.idx.msk [tilespmem:v15+s1+$0x0], $0xffff;
	v15 =	vadd.s32 $0x3FD1, v1;
	s23 =	sor.u32 s23, s18;
	s18 =	sadd.s32 $0x13880, s21  }
0x161: {  	v18 =	vadd.s32 $0x5296, v5;
	[tilespmem:s22+$0x0] =	vst v12;
	v16 =	vld.idx.msk [tilespmem:v16+s1+$0x0], $0xffff;
	s7 =	sor.u32 s7, s18  }
0x162: {  	s22 =	sadd.s32 $0x10080, s14;
	v12 =	vld.idx.msk [tilespmem:v14+s1+$0x0], $0xffff;
	[tilespmem:s7+$0x0] =	vst v2;
	s7 =	sor.u32 s3, s9  }
0x163: {  	s16 =	simm.s32 $0x80;
	s8 =	sadd.s32 $0x12880, s4;
	s12 =	sor.u32 s15, s22;
	v19 =	vld.idx.msk [tilespmem:v6+s1+$0x0], $0xffff;
	[tilespmem:s7+$0x0] =	vst v8  }
0x164: {  	s16 =	sand.u32 $0x60, s16;
	s24 =	sor.u32 s28, s8;
	v6 =	vadd.s32 $0x4B14, v0;
	[tilespmem:s12+$0x0] =	vst v11;
	v8 =	vld.idx.msk [tilespmem:v13+s1+$0x0], $0xffff  }
0x165: {  	s21 =	sor.u32 $0x10, s16;
	s22 =	sor.u32 s13, s22;
	[tilespmem:s24+$0x0] =	vst v10;
	s24 =	sadd.s32 $0x7880, s23;
	v14 =	vld.idx.msk [tilespmem:v15+s1+$0x0], $0xffff;
	v15 =	vadd.s32 $0x4753, v7  }
0x166: {  	v11 =	vadd.s32 $0x3FD1, v17;
	v10 =	vld.idx.msk [tilespmem:v18+s1+$0x0], $0xffff;
	s12 =	sor.u32 s21, s24;
	s9 =	sor.u32 s16, s24;
	s24 =	sadd.s32 $0x11880, s2  }
0x167: {  	v5 =	vadd.s32 $0x5657, v5;
	[tilespmem:s22+$0x0] =	vst v9;
	v2 =	vld [tilespmem:s12+$0x0];
	s12 =	sor.u32 s0, s24  }
0x168: {  	v13 =	vadd.s32 $0x4392, v1;
	v25 =	vld [tilespmem:s9+$0x0];
	[tilespmem:s12+$0x0] =	vst v12;
	s12 =	sor.u32 s31, s17  }
0x169: {  	s11 =	sor.u32 s25, s11;
	s9 =	sadd.s32 $0x13080, s4;
	v12 =	vadd.s32 $0x4ED5, v4;
	v18 =	vld.idx.msk [tilespmem:v6+s1+$0x0], $0xffff;
	[tilespmem:s12+$0x0] =	vst v16  }
0x16a: {  	v20 =	vadd.s32 $0x5657, v3;
	s7 =	sadd.s32 $0x10880, s14;
	s17 =	sor.u32 s28, s9;
	[tilespmem:s11+$0x0] =	vst v19;
	v27 =	vld.idx.msk [tilespmem:v15+s1+$0x0], $0xffff  }
0x16b: {  	v28 =	vadd.s32 $0x4ED5, v0;
	v3 =	vadd.s32 $0x5657, v4;
	s22 =	sor.u32 s15, s7;
	v9 =	vadd.s32 $0x4ED5, v7;
	v22 =	vld.idx.msk [tilespmem:v11+s1+$0x0], $0xffff;
	[tilespmem:s17+$0x0] =	vst v10  }
0x16c: {  	v6 =	vadd.s32 $0x5296, v7;
	v16 =	vadd.s32 $0x4392, v17;
	[tilespmem:s22+$0x0] =	vst v14;
	s17 =	sor.u32 s3, s10;
	s22 =	sadd.s32 $0x12080, s2;
	v29 =	vadd.s32 $0x3C10, v2;
	v30 =	vld.idx.msk [tilespmem:v5+s1+$0x0], $0xffff  }
0x16d: {  	v11 =	vadd.s32 $0x5296, v4;
	v4 =	vadd.s32 $0x5657, v7;
	v31 =	vadd.s32 $0x3C10, v25;
	v21 =	vld.idx.msk [tilespmem:v13+s1+$0x0], $0xffff;
	[tilespmem:s17+$0x0] =	vst v8;
	s17 =	sor.u32 s0, s22  }
0x16e: {  	s12 =	sor.u32 s3, s18;
	s18 =	sor.u32 s31, s24;
	v14 =	vadd.s32 $0x4B14, v7;
	v15 =	vadd.s32 $0x4753, v17;
	v10 =	vadd.s32 $0x4ED5, v17;
	v24 =	vld.idx.msk [tilespmem:v12+s1+$0x0], $0xffff;
	[tilespmem:s17+$0x0] =	vst v18  }
0x16f: {  	s7 =	sor.u32 s13, s7;
	s4 =	sadd.s32 $0x13880, s4;
	s24 =	sadd.s32 $0x11080, s14;
	v13 =	vadd.s32 $0x4B14, v17;
	v8 =	vadd.s32 $0x5296, v17;
	v23 =	vld.idx.msk [tilespmem:v20+s1+$0x0], $0xffff;
	[tilespmem:s18+$0x0] =	vst v27;
	v27 =	vadd.s32 $0x4753, v1  }
0x170: {  	s28 =	sor.u32 s28, s4;
	s11 =	sor.u32 s25, s8;
	s8 =	sor.u32 s15, s24;
	v5 =	vadd.s32 $0x5657, v17;
	v19 =	vadd.s32 $0x3FD1, v25;
	v26 =	vadd.s32 $0x4392, v25;
	[tilespmem:s7+$0x0] =	vst v22;
	v22 =	vld.idx.msk [tilespmem:v28+s1+$0x0], $0xffff  }
0x171: {  	s10 =	simm.s32 $0x8;
	s3 =	sor.u32 s25, s4;
	s4 =	simm.s32 $0xA0;
	v17 =	vadd.s32 $0x5296, v25;
	v7 =	vadd.s32 $0x5657, v25;
	v20 =	vadd.s32 $0x4B14, v25;
	v28 =	vld.idx.msk [tilespmem:v29+s1+$0x0], $0xffff  }
0x172: {  	v12 =	vadd.s32 $0x4ED5, v25;
	v18 =	vadd.s32 $0x4753, v25;
	v25 =	vadd.s32 $0x5296, v0;
	s7 =	sor.u32 s25, s9;
	s9 =	sor.u32 s31, s22;
	s25 =	sor.u32 s13, s24;
	v29 =	vld.idx.msk [tilespmem:v31+s1+$0x0], $0xffff;
	[tilespmem:s28+$0x0] =	vst v30  }
.LBB2_6:
0x173: {  	s28 =	sand.u32 $0x60, s4;
	v30 =	vadd.s32 $0x3FD1, v2;
	s5 =	sadd.s32 $0x100, s5;
	s6 =	sadd.s32 $0x10, s6;
	v31 =	vld.idx.msk [tilespmem:v16+s1+$0x0], $0xffff;
	[tilespmem:s8+$0x0] =	vst v21;
	v16 =	vmov v26  }
0x174: {  	s18 =	sadd.s32 $0x12880, s2;
	s8 =	sand.u32 $0x400, s5;
	s17 =	sand.u32 $0x380, s6;
	v21 =	vld.idx.msk [tilespmem:v27+s1+$0x0], $0xffff;
	[tilespmem:s11+$0x0] =	vst v24  }
0x175: {  	s10 =	sadd.s32 $0x2, s10;
	s11 =	sadd.s32 $0x10080, s23;
	s22 =	sor.u32 s0, s18;
	v24 =	vld.idx.msk [tilespmem:v14+s1+$0x0], $0xffff;
	[tilespmem:s12+$0x0] =	vst v23;
	v14 =	vmov v13;
	v13 =	vmov v20  }
0x176: {  	p0 =	slt.u32 s10, $0x7E;
	s12 =	sor.u32 s17, s8;
	s8 =	sor.u32 s21, s11;
	v20 =	vadd.s32 $0x4B14, v1;
	[tilespmem:s22+$0x0] =	vst v22;
	v22 =	vld.idx.msk [tilespmem:v11+s1+$0x0], $0xffff;
	v11 =	vmovc v6;
	v6 =	vmov v8;
	v8 =	vmov v17  }
0x177: {  	s11 =	sor.u32 s16, s11;
	s17 =	sadd.s32 $0x7880, s12;
	s22 =	sor.u32 $0x10, s28;
	[tilespmem:s8+$0x0] =	vst v28;
	v17 =	vld.idx.msk [tilespmem:v25+s1+$0x0], $0xffff  }
0x178: {  	s24 =	sor.u32 s28, s17;
	s17 =	sor.u32 s22, s17;
	[tilespmem:s11+$0x0] =	vst v29;
	v23 =	vld.idx.msk [tilespmem:v30+s1+$0x0], $0xffff;
	s11 =	sadd.s32 $0x11880, s14  }
0x179: {  	v25 =	vadd.s32 $0x5657, v0;
	v0 =	vmov v1;
	v1 =	vmov v2;
	[tilespmem:s25+$0x0] =	vst v31;
	s8 =	sor.u32 s13, s11;
	s25 =	sor.u32 s15, s11;
	s11 =	sor.u32 s31, s18;
	v2 =	vld [tilespmem:s17+$0x0]  }
0x17a: {  	v28 =	vadd.s32 $0x4392, v1;
	v27 =	vld [tilespmem:s24+$0x0];
	[tilespmem:s25+$0x0] =	vst v21;
	s25 =	smov.u32 s31;
	s31 =	smov.u32 s13;
	s13 =	smov.u32 s16  }
0x17b: {  	s17 =	smov.u32 s23;
	s16 =	smov.u32 s28;
	v29 =	vld.idx.msk [tilespmem:v20+s1+$0x0], $0xffff;
	[tilespmem:s9+$0x0] =	vst v24;
	s9 =	sadd.s32 $0x13080, s2  }
0x17c: {  	s18 =	sadd.s32 $0x10880, s17;
	v30 =	vld.idx.msk [tilespmem:v19+s1+$0x0], $0xffff;
	s23 =	sor.u32 s0, s9;
	[tilespmem:s7+$0x0] =	vst v22;
	s7 =	sor.u32 s25, s9  }
0x17d: {  	s24 =	sor.u32 s13, s18;
	s9 =	sor.u32 s21, s18;
	v22 =	vadd.s32 $0x4ED5, v0;
	v31 =	vld.idx.msk [tilespmem:v15+s1+$0x0], $0xffff;
	[tilespmem:s23+$0x0] =	vst v17;
	v15 =	vmov v18;
	s23 =	smov.u32 s12  }
0x17e: {  	s18 =	smov.u32 s0;
	s0 =	smov.u32 s15;
	s15 =	smov.u32 s21;
	v32 =	vadd.s32 $0x3C10, v2;
	[tilespmem:s9+$0x0] =	vst v23;
	v33 =	vld.idx.msk [tilespmem:v25+s1+$0x0], $0xffff  }
0x17f: {  	s28 =	sadd.s32 $0x12080, s14;
	s21 =	smov.u32 s22;
	s12 =	smov.u32 s3;
	v25 =	vadd.s32 $0x3C10, v27;
	v19 =	vadd.s32 $0x3FD1, v27;
	v26 =	vadd.s32 $0x4392, v27;
	v21 =	vld.idx.msk [tilespmem:v28+s1+$0x0], $0xffff  }
.Ltmp2:
0x180: {  	s3 =	sor.u32 s0, s28;
	s9 =	sor.u32 s31, s28;
	v18 =	vadd.s32 $0x4753, v27;
	v20 =	vadd.s32 $0x4B14, v27;
	v24 =	vld.idx.msk [tilespmem:v9+s1+$0x0], $0xffff;
	v9 =	vmovc v10;
	v10 =	vmovc v12;
	v12 =	vadd.s32 $0x4ED5, v27;
	(pc) =	sbr.rel @p0 .LBB2_6-.Ltmp2, $4  }
0x181: {  	v17 =	vadd.s32 $0x5296, v27;
	v28 =	vadd.s32 $0x5657, v27;
	v27 =	vadd.s32 $0x4753, v1;
	[tilespmem:s3+$0x0] =	vst v29;
	v23 =	vld.idx.msk [tilespmem:v3+s1+$0x0], $0xffff;
	v3 =	vmovc v4;
	v4 =	vmovc v5  }
0x182: {  	s22 =	sadd.s32 $0x13880, s2;
	s2 =	smov.u32 s14;
	s14 =	smov.u32 s17;
	v5 =	vmov v7;
	v7 =	vmov v28;
	[tilespmem:s24+$0x0] =	vst v30;
	v22 =	vld.idx.msk [tilespmem:v22+s1+$0x0], $0xffff  }
0x183: {  	s17 =	sadd.s32 $0x11080, s14;
	s18 =	sor.u32 s18, s22;
	s3 =	sor.u32 s25, s22;
	v28 =	vld.idx.msk [tilespmem:v32+s1+$0x0], $0xffff;
	[tilespmem:s8+$0x0] =	vst v31  }
0x184: {  	s4 =	sadd.s32 $0x20, s4;
	s25 =	sor.u32 s13, s17;
	s8 =	sor.u32 s15, s17;
	v29 =	vld.idx.msk [tilespmem:v25+s1+$0x0], $0xffff;
	v25 =	vadd.s32 $0x5296, v0;
	[tilespmem:s18+$0x0] =	vst v33  }
0x185: {  	v30 =	vadd.s32 $0x3FD1, v2;
	_ =	sdelay $0x1  }
0x186: {  	s4 =	sadd.s32 $0x10080, s23  }
0x187: {  	s5 =	sor.u32 s21, s4  }
0x188: {  	s4 =	sor.u32 s16, s4;
	[tilespmem:s5+$0x0] =	vst v28  }
0x189: {  	[tilespmem:s4+$0x0] =	vst v29;
	v28 =	vld.idx.msk [tilespmem:v30+s1+$0x0], $0xffff  }
0x18a: {  	v29 =	vadd.s32 $0x4392, v2;
	v19 =	vld.idx.msk [tilespmem:v19+s1+$0x0], $0xffff;
	_ =	sdelay $0x1  }
0x18b: {  	s28 =	sadd.s32 $0x10880, s23  }
0x18c: {  	v16 =	vld.idx.msk [tilespmem:v16+s1+$0x0], $0xffff;
	s6 =	sor.u32 s21, s28  }
0x18d: {  	s4 =	sor.u32 s16, s28;
	[tilespmem:s6+$0x0] =	vst v28  }
0x18e: {  	[tilespmem:s4+$0x0] =	vst v19;
	v28 =	vld.idx.msk [tilespmem:v29+s1+$0x0], $0xffff  }
0x18f: {  	v29 =	vadd.s32 $0x4753, v2;
	v19 =	vld.idx.msk [tilespmem:v26+s1+$0x0], $0xffff  }
0x190: {  	[tilespmem:s8+$0x0] =	vst v21  }
0x191: {  	s8 =	sadd.s32 $0x11080, s23;
	v14 =	vld.idx.msk [tilespmem:v14+s1+$0x0], $0xffff;
	[tilespmem:s25+$0x0] =	vst v16  }
0x192: {  	[tilespmem:s11+$0x0] =	vst v24;
	s10 =	sor.u32 s21, s8;
	v15 =	vld.idx.msk [tilespmem:v15+s1+$0x0], $0xffff  }
0x193: {  	v21 =	vld.idx.msk [tilespmem:v27+s1+$0x0], $0xffff;
	s4 =	sor.u32 s16, s8;
	[tilespmem:s10+$0x0] =	vst v28  }
0x194: {  	v24 =	vadd.s32 $0x4B14, v1;
	[tilespmem:s4+$0x0] =	vst v19;
	v16 =	vld.idx.msk [tilespmem:v29+s1+$0x0], $0xffff  }
0x195: {  	s11 =	sadd.s32 $0x11880, s14;
	[tilespmem:s12+$0x0] =	vst v23;
	v26 =	vadd.s32 $0x4B14, v2;
	v18 =	vld.idx.msk [tilespmem:v18+s1+$0x0], $0xffff  }
0x196: {  	s5 =	sor.u32 s13, s11;
	[tilespmem:s9+$0x0] =	vst v14  }
0x197: {  	s17 =	sadd.s32 $0x11880, s23;
	v11 =	vld.idx.msk [tilespmem:v11+s1+$0x0], $0xffff;
	s6 =	sor.u32 s15, s11;
	[tilespmem:s5+$0x0] =	vst v15  }
0x198: {  	s18 =	sor.u32 s21, s17;
	[tilespmem:s6+$0x0] =	vst v21;
	v13 =	vld.idx.msk [tilespmem:v13+s1+$0x0], $0xffff  }
0x199: {  	s22 =	sor.u32 s16, s17;
	s4 =	sadd.s32 $0x12880, s2;
	v19 =	vld.idx.msk [tilespmem:v24+s1+$0x0], $0xffff;
	[tilespmem:s18+$0x0] =	vst v16  }
0x19a: {  	v21 =	vadd.s32 $0x4ED5, v1;
	s12 =	sor.u32 s0, s4;
	[tilespmem:s22+$0x0] =	vst v18;
	v15 =	vld.idx.msk [tilespmem:v26+s1+$0x0], $0xffff  }
0x19b: {  	s24 =	sadd.s32 $0x12080, s14;
	[tilespmem:s12+$0x0] =	vst v22;
	v16 =	vadd.s32 $0x4ED5, v2;
	v14 =	vld.idx.msk [tilespmem:v20+s1+$0x0], $0xffff  }
0x19c: {  	[tilespmem:s7+$0x0] =	vst v11;
	s6 =	sor.u32 s13, s24;
	v18 =	vld.idx.msk [tilespmem:v25+s1+$0x0], $0xffff  }
0x19d: {  	v0 =	vadd.s32 $0x5657, v0;
	s28 =	sadd.s32 $0x12080, s23;
	s25 =	sor.u32 s15, s24;
	v9 =	vld.idx.msk [tilespmem:v9+s1+$0x0], $0xffff;
	[tilespmem:s6+$0x0] =	vst v13  }
0x19e: {  	s8 =	sor.u32 s21, s28;
	v10 =	vld.idx.msk [tilespmem:v10+s1+$0x0], $0xffff;
	[tilespmem:s25+$0x0] =	vst v19  }
0x19f: {  	s7 =	sadd.s32 $0x13080, s2;
	s5 =	sor.u32 s16, s28;
	v11 =	vld.idx.msk [tilespmem:v21+s1+$0x0], $0xffff;
	[tilespmem:s8+$0x0] =	vst v15  }
0x1a0: {  	s9 =	sor.u32 s0, s7;
	v19 =	vadd.s32 $0x5296, v1;
	[tilespmem:s5+$0x0] =	vst v14;
	v13 =	vld.idx.msk [tilespmem:v16+s1+$0x0], $0xffff  }
0x1a1: {  	s10 =	sadd.s32 $0x12880, s14;
	s4 =	sor.u32 s31, s4;
	[tilespmem:s9+$0x0] =	vst v18;
	v15 =	vadd.s32 $0x5296, v2;
	v12 =	vld.idx.msk [tilespmem:v12+s1+$0x0], $0xffff  }
0x1a2: {  	[tilespmem:s4+$0x0] =	vst v9;
	s18 =	sor.u32 s13, s10;
	v0 =	vld.idx.msk [tilespmem:v0+s1+$0x0], $0xffff  }
0x1a3: {  	s11 =	sor.u32 s15, s10;
	s12 =	sadd.s32 $0x12880, s23;
	v6 =	vld.idx.msk [tilespmem:v6+s1+$0x0], $0xffff;
	[tilespmem:s18+$0x0] =	vst v10  }
0x1a4: {  	s17 =	sor.u32 s21, s12;
	v8 =	vld.idx.msk [tilespmem:v8+s1+$0x0], $0xffff;
	[tilespmem:s11+$0x0] =	vst v11  }
0x1a5: {  	s24 =	sor.u32 s16, s12;
	s22 =	sadd.s32 $0x13880, s2;
	v9 =	vld.idx.msk [tilespmem:v19+s1+$0x0], $0xffff;
	[tilespmem:s17+$0x0] =	vst v13  }
0x1a6: {  	v1 =	vadd.s32 $0x5657, v1;
	s25 =	sor.u32 s0, s22;
	[tilespmem:s24+$0x0] =	vst v12;
	v10 =	vld.idx.msk [tilespmem:v15+s1+$0x0], $0xffff  }
0x1a7: {  	s28 =	sadd.s32 $0x13080, s14;
	v2 =	vadd.s32 $0x5657, v2;
	s8 =	sor.u32 s31, s7;
	[tilespmem:s25+$0x0] =	vst v0;
	v0 =	vld.idx.msk [tilespmem:v17+s1+$0x0], $0xffff  }
0x1a8: {  	v3 =	vld.idx.msk [tilespmem:v3+s1+$0x0], $0xffff;
	s5 =	sor.u32 s13, s28;
	[tilespmem:s8+$0x0] =	vst v6  }
0x1a9: {  	s6 =	sor.u32 s15, s28;
	s9 =	sadd.s32 $0x13080, s23;
	[tilespmem:s5+$0x0] =	vst v8;
	v4 =	vld.idx.msk [tilespmem:v4+s1+$0x0], $0xffff  }
0x1aa: {  	s10 =	sor.u32 s21, s9;
	v5 =	vld.idx.msk [tilespmem:v5+s1+$0x0], $0xffff;
	[tilespmem:s6+$0x0] =	vst v9  }
0x1ab: {  	s0 =	sor.u32 s16, s9;
	v1 =	vld.idx.msk [tilespmem:v1+s1+$0x0], $0xffff;
	[tilespmem:s10+$0x0] =	vst v10  }
0x1ac: {  	[tilespmem:s0+$0x0] =	vst v0;
	v2 =	vld.idx.msk [tilespmem:v2+s1+$0x0], $0xffff  }
0x1ad: {  	[tilespmem:s3+$0x0] =	vst v3;
	s2 =	sor.u32 s31, s22;
	s11 =	sadd.s32 $0x13880, s14;
	v0 =	vld.idx.msk [tilespmem:v7+s1+$0x0], $0xffff  }
0x1ae: {  	s17 =	sor.u32 s13, s11;
	[tilespmem:s2+$0x0] =	vst v4  }
0x1af: {  	s14 =	sadd.s32 $0x13880, s23;
	s12 =	sor.u32 s15, s11;
	[tilespmem:s17+$0x0] =	vst v5  }
0x1b0: {  	s15 =	sor.u32 s21, s14;
	[tilespmem:s12+$0x0] =	vst v1  }
0x1b1: {  	s0 =	sor.u32 s16, s14;
	[tilespmem:s15+$0x0] =	vst v2  }
0x1b2: {  	s18 =	simm.s32 $0x10080;
	s21 =	simm.s32 $0x0;
	[tilespmem:s0+$0x0] =	vst v0  }
0x1b3: {  	s22 =	sand.u32 $0x400, s21;
	s23 =	sand.u32 $0x380, s21;
	s0 =	rddreg [dreg:$0xb]  }
0x1b4: {  	[hbm4b:s0+s19] =	stream.strided.scatter [tilespmem:s18], [sflag:$0x5], $0x4000, s20, s19, $0x38;
	[tilespmem:$0x18080] =	vst v63  }
0x1b5: {  	s3 =	sand.u32 $0x60, s21;
	s21 =	sor.u32 s23, s22;
	_ =	swait.ge [sflag:s26], $0x1E08  }
0x1b6: {  	s7 =	sor.u32 $0x10, s3;
	s24 =	sadd.s32 $0x7880, s21;
	[sflag:s26] =	ssyncset.done $0x0  }
0x1b7: {  	s25 =	sor.u32 s7, s24;
	[sflag:s26] =	ssyncadd.s32 $0xFFFFE1F8  }
0x1b8: {  	v2 =	vld [tilespmem:s25+$0x0];
	_ =	sdelay $0x3  }
0x1b9: {  	s5 =	simm.s32 $0x100;
	s6 =	simm.s32 $0x10  }
0x1ba: {  	s28 =	simm.s32 $0x20;
	s4 =	sand.u32 $0x400, s5;
	s5 =	sand.u32 $0x380, s6;
	v0 =	vadd.s32 $0x5A18, v2  }
0x1bb: {  	s4 =	sor.u32 s5, s4;
	s25 =	sand.u32 $0x60, s28  }
0x1bc: {  	s10 =	sadd.s32 $0x7880, s4;
	s28 =	sor.u32 $0x10, s25  }
0x1bd: {  	s11 =	sor.u32 s28, s10  }
0x1be: {  	v5 =	vld [tilespmem:s11+$0x0]  }
0x1bf: {  	v0 =	vld.idx.msk [tilespmem:v0+s1+$0x0], $0xffff  }
0x1c0: {  	v1 =	vadd.s32 $0x5DD9, v2  }
0x1c1: {  	s0 =	sor.u32 s3, s24  }
0x1c2: {  	s8 =	sadd.s32 $0x14080, s21;
	v3 =	vld [tilespmem:s0+$0x0]  }
0x1c3: {  	s9 =	sor.u32 s7, s8;
	s12 =	sor.u32 s25, s10  }
0x1c4: {  	v4 =	vld [tilespmem:s12+$0x0];
	v7 =	vadd.s32 $0x5A18, v5;
	[tilespmem:s9+$0x0] =	vst v0  }
0x1c5: {  	v0 =	vld.idx.msk [tilespmem:v1+s1+$0x0], $0xffff  }
0x1c6: {  	v1 =	vadd.s32 $0x619A, v2  }
0x1c7: {  	v6 =	vadd.s32 $0x5A18, v3  }
0x1c8: {  	s5 =	sadd.s32 $0x14880, s21  }
0x1c9: {  	s13 =	sor.u32 s7, s5;
	v9 =	vadd.s32 $0x5A18, v4;
	v7 =	vld.idx.msk [tilespmem:v7+s1+$0x0], $0xffff  }
0x1ca: {  	s17 =	simm.s32 $0x20;
	v10 =	vadd.s32 $0x5DD9, v5;
	[tilespmem:s13+$0x0] =	vst v0  }
0x1cb: {  	s22 =	sand.u32 $0x380, s17;
	s16 =	simm.s32 $0x200;
	v0 =	vld.idx.msk [tilespmem:v1+s1+$0x0], $0xffff  }
0x1cc: {  	s23 =	sadd.s32 $0x14080, s4;
	s14 =	sor.u32 s3, s8;
	s18 =	sand.u32 $0x400, s16;
	v1 =	vld.idx.msk [tilespmem:v6+s1+$0x0], $0xffff;
	v6 =	vadd.s32 $0x655B, v2  }
0x1cd: {  	s2 =	sor.u32 s22, s18;
	s10 =	simm.s32 $0x40;
	s12 =	sor.u32 s28, s23;
	v8 =	vadd.s32 $0x5DD9, v3  }
0x1ce: {  	s8 =	sadd.s32 $0x15080, s21;
	s24 =	sadd.s32 $0x7880, s2;
	s31 =	sand.u32 $0x60, s10;
	v9 =	vld.idx.msk [tilespmem:v9+s1+$0x0], $0xffff;
	[tilespmem:s12+$0x0] =	vst v7  }
0x1cf: {  	s15 =	sor.u32 s7, s8;
	s10 =	sor.u32 s31, s24;
	v10 =	vld.idx.msk [tilespmem:v10+s1+$0x0], $0xffff  }
0x1d0: {  	v7 =	vld [tilespmem:s10+$0x0];
	[tilespmem:s15+$0x0] =	vst v0  }
0x1d1: {  	s0 =	sor.u32 $0x10, s31;
	v12 =	vadd.s32 $0x5DD9, v4;
	[tilespmem:s14+$0x0] =	vst v1;
	v1 =	vld.idx.msk [tilespmem:v6+s1+$0x0], $0xffff  }
0x1d2: {  	s16 =	sadd.s32 $0x14880, s4;
	s13 =	sor.u32 s0, s24;
	v6 =	vld.idx.msk [tilespmem:v8+s1+$0x0], $0xffff;
	v8 =	vadd.s32 $0x691C, v2  }
0x1d3: {  	s17 =	sor.u32 s28, s16;
	v11 =	vadd.s32 $0x619A, v3;
	v0 =	vld [tilespmem:s13+$0x0]  }
0x1d4: {  	s6 =	sadd.s32 $0x15880, s21;
	[tilespmem:s17+$0x0] =	vst v10;
	s15 =	sor.u32 s25, s23  }
0x1d5: {  	s14 =	sor.u32 s7, s6;
	[tilespmem:s15+$0x0] =	vst v9  }
0x1d6: {  	s5 =	sor.u32 s3, s5;
	v10 =	vadd.s32 $0x5A18, v7;
	v9 =	vld.idx.msk [tilespmem:v12+s1+$0x0], $0xffff;
	[tilespmem:s14+$0x0] =	vst v1  }
0x1d7: {  	v1 =	vadd.s32 $0x619A, v5;
	[tilespmem:s5+$0x0] =	vst v6;
	v8 =	vld.idx.msk [tilespmem:v8+s1+$0x0], $0xffff  }
0x1d8: {  	v13 =	vadd.s32 $0x5A18, v0;
	v11 =	vld.idx.msk [tilespmem:v11+s1+$0x0], $0xffff  }
0x1d9: {  	v6 =	vadd.s32 $0x6CDD, v2  }
0x1da: {  	s22 =	sor.u32 s25, s16;
	v12 =	vadd.s32 $0x619A, v4;
	s5 =	sadd.s32 $0x16080, s21  }
0x1db: {  	v14 =	vadd.s32 $0x655B, v3;
	s18 =	sor.u32 s7, s5;
	[tilespmem:s22+$0x0] =	vst v9;
	v9 =	vld.idx.msk [tilespmem:v10+s1+$0x0], $0xffff  }
0x1dc: {  	s8 =	sor.u32 s3, s8;
	s13 =	simm.s32 $0x300;
	s14 =	simm.s32 $0x30;
	v1 =	vld.idx.msk [tilespmem:v1+s1+$0x0], $0xffff;
	[tilespmem:s18+$0x0] =	vst v8  }
0x1dd: {  	s23 =	simm.s32 $0x60;
	s15 =	sand.u32 $0x400, s13;
	v8 =	vadd.s32 $0x655B, v5;
	[tilespmem:s8+$0x0] =	vst v11;
	v11 =	vld.idx.msk [tilespmem:v13+s1+$0x0], $0xffff;
	s8 =	sand.u32 $0x380, s14  }
0x1de: {  	s13 =	sand.u32 $0x60, s23;
	v15 =	vadd.s32 $0x5DD9, v0;
	v6 =	vld.idx.msk [tilespmem:v6+s1+$0x0], $0xffff;
	s14 =	sor.u32 s8, s15  }
0x1df: {  	s10 =	sadd.s32 $0x15080, s4;
	v10 =	vld.idx.msk [tilespmem:v12+s1+$0x0], $0xffff;
	v13 =	vadd.s32 $0x709E, v2;
	s15 =	sor.u32 $0x10, s13;
	s22 =	sadd.s32 $0x7880, s14  }
0x1e0: {  	s16 =	sadd.s32 $0x14080, s2;
	s24 =	sor.u32 s28, s10;
	v14 =	vld.idx.msk [tilespmem:v14+s1+$0x0], $0xffff;
	s23 =	sor.u32 s15, s22  }
0x1e1: {  	s9 =	sadd.s32 $0x16880, s21;
	v12 =	vadd.s32 $0x691C, v3;
	s18 =	sor.u32 s0, s16;
	[tilespmem:s24+$0x0] =	vst v1;
	v1 =	vld [tilespmem:s23+$0x0]  }
0x1e2: {  	s17 =	sor.u32 s7, s9;
	v8 =	vld.idx.msk [tilespmem:v8+s1+$0x0], $0xffff;
	[tilespmem:s18+$0x0] =	vst v11  }
0x1e3: {  	[tilespmem:s17+$0x0] =	vst v6;
	v6 =	vadd.s32 $0x691C, v5;
	v15 =	vld.idx.msk [tilespmem:v15+s1+$0x0], $0xffff  }
0x1e4: {  	s6 =	sor.u32 s3, s6;
	s11 =	sor.u32 s13, s22;
	v11 =	vld.idx.msk [tilespmem:v13+s1+$0x0], $0xffff;
	v13 =	vadd.s32 $0x5DD9, v7  }
0x1e5: {  	v16 =	vadd.s32 $0x655B, v4;
	s12 =	sor.u32 s25, s10;
	s24 =	sadd.s32 $0x15880, s4;
	v17 =	vld [tilespmem:s11+$0x0];
	[tilespmem:s6+$0x0] =	vst v14  }
0x1e6: {  	[tilespmem:s12+$0x0] =	vst v10;
	s8 =	sor.u32 s28, s24;
	v14 =	vadd.s32 $0x619A, v0;
	v12 =	vld.idx.msk [tilespmem:v12+s1+$0x0], $0xffff  }
0x1e7: {  	v2 =	vadd.s32 $0x745F, v2;
	s11 =	sor.u32 s31, s16;
	s17 =	sadd.s32 $0x14880, s2;
	[tilespmem:s8+$0x0] =	vst v8  }
0x1e8: {  	s10 =	sadd.s32 $0x17080, s21;
	[tilespmem:s11+$0x0] =	vst v9;
	s22 =	sor.u32 s0, s17;
	v8 =	vadd.s32 $0x6CDD, v3;
	v6 =	vld.idx.msk [tilespmem:v6+s1+$0x0], $0xffff  }
0x1e9: {  	v10 =	vadd.s32 $0x6CDD, v5;
	s18 =	sor.u32 s7, s10;
	[tilespmem:s22+$0x0] =	vst v15;
	v9 =	vld.idx.msk [tilespmem:v13+s1+$0x0], $0xffff  }
0x1ea: {  	s5 =	sor.u32 s3, s5;
	v13 =	vld.idx.msk [tilespmem:v16+s1+$0x0], $0xffff;
	[tilespmem:s18+$0x0] =	vst v11;
	v11 =	vadd.s32 $0x5A18, v1  }
0x1eb: {  	s11 =	sadd.s32 $0x16080, s4;
	v15 =	vadd.s32 $0x5A18, v17;
	[tilespmem:s5+$0x0] =	vst v12;
	v12 =	vld.idx.msk [tilespmem:v14+s1+$0x0], $0xffff  }
0x1ec: {  	s23 =	sor.u32 s28, s11;
	v16 =	vadd.s32 $0x619A, v7;
	v2 =	vld.idx.msk [tilespmem:v2+s1+$0x0], $0xffff  }
0x1ed: {  	v14 =	vadd.s32 $0x655B, v0;
	s18 =	sor.u32 s31, s17;
	v8 =	vld.idx.msk [tilespmem:v8+s1+$0x0], $0xffff;
	[tilespmem:s23+$0x0] =	vst v6  }
0x1ee: {  	s24 =	sor.u32 s25, s24;
	s6 =	simm.s32 $0x40;
	s5 =	simm.s32 $0x400;
	v6 =	vadd.s32 $0x691C, v4;
	v10 =	vld.idx.msk [tilespmem:v10+s1+$0x0], $0xffff;
	[tilespmem:s18+$0x0] =	vst v9  }
0x1ef: {  	s17 =	sadd.s32 $0x15080, s2;
	s23 =	sand.u32 $0x380, s6;
	v11 =	vld.idx.msk [tilespmem:v11+s1+$0x0], $0xffff;
	s18 =	sand.u32 $0x400, s5;
	[tilespmem:s24+$0x0] =	vst v13;
	v13 =	vadd.s32 $0x709E, v3  }
0x1f0: {  	s22 =	sor.u32 s0, s17;
	v9 =	vld.idx.msk [tilespmem:v15+s1+$0x0], $0xffff;
	v15 =	vadd.s32 $0x5DD9, v1;
	s23 =	sor.u32 s23, s18;
	s18 =	sadd.s32 $0x17880, s21  }
0x1f1: {  	v18 =	vadd.s32 $0x709E, v5;
	[tilespmem:s22+$0x0] =	vst v12;
	v16 =	vld.idx.msk [tilespmem:v16+s1+$0x0], $0xffff;
	s7 =	sor.u32 s7, s18  }
0x1f2: {  	s22 =	sadd.s32 $0x14080, s14;
	v12 =	vld.idx.msk [tilespmem:v14+s1+$0x0], $0xffff;
	[tilespmem:s7+$0x0] =	vst v2;
	s7 =	sor.u32 s3, s9  }
0x1f3: {  	s16 =	simm.s32 $0x80;
	s8 =	sadd.s32 $0x16880, s4;
	s12 =	sor.u32 s15, s22;
	v19 =	vld.idx.msk [tilespmem:v6+s1+$0x0], $0xffff;
	[tilespmem:s7+$0x0] =	vst v8  }
0x1f4: {  	s16 =	sand.u32 $0x60, s16;
	s24 =	sor.u32 s28, s8;
	v6 =	vadd.s32 $0x691C, v0;
	[tilespmem:s12+$0x0] =	vst v11;
	v8 =	vld.idx.msk [tilespmem:v13+s1+$0x0], $0xffff  }
0x1f5: {  	s21 =	sor.u32 $0x10, s16;
	s22 =	sor.u32 s13, s22;
	[tilespmem:s24+$0x0] =	vst v10;
	s24 =	sadd.s32 $0x7880, s23;
	v14 =	vld.idx.msk [tilespmem:v15+s1+$0x0], $0xffff;
	v15 =	vadd.s32 $0x655B, v7  }
0x1f6: {  	v11 =	vadd.s32 $0x5DD9, v17;
	v10 =	vld.idx.msk [tilespmem:v18+s1+$0x0], $0xffff;
	s12 =	sor.u32 s21, s24;
	s9 =	sor.u32 s16, s24;
	s24 =	sadd.s32 $0x15880, s2  }
0x1f7: {  	v5 =	vadd.s32 $0x745F, v5;
	[tilespmem:s22+$0x0] =	vst v9;
	v2 =	vld [tilespmem:s12+$0x0];
	s12 =	sor.u32 s0, s24  }
0x1f8: {  	v13 =	vadd.s32 $0x619A, v1;
	v25 =	vld [tilespmem:s9+$0x0];
	[tilespmem:s12+$0x0] =	vst v12;
	s12 =	sor.u32 s31, s17  }
0x1f9: {  	s11 =	sor.u32 s25, s11;
	s9 =	sadd.s32 $0x17080, s4;
	v12 =	vadd.s32 $0x6CDD, v4;
	v18 =	vld.idx.msk [tilespmem:v6+s1+$0x0], $0xffff;
	[tilespmem:s12+$0x0] =	vst v16  }
0x1fa: {  	v20 =	vadd.s32 $0x745F, v3;
	s7 =	sadd.s32 $0x14880, s14;
	s17 =	sor.u32 s28, s9;
	[tilespmem:s11+$0x0] =	vst v19;
	v27 =	vld.idx.msk [tilespmem:v15+s1+$0x0], $0xffff  }
0x1fb: {  	v28 =	vadd.s32 $0x6CDD, v0;
	v3 =	vadd.s32 $0x745F, v4;
	s22 =	sor.u32 s15, s7;
	v9 =	vadd.s32 $0x6CDD, v7;
	v22 =	vld.idx.msk [tilespmem:v11+s1+$0x0], $0xffff;
	[tilespmem:s17+$0x0] =	vst v10  }
0x1fc: {  	v6 =	vadd.s32 $0x709E, v7;
	v16 =	vadd.s32 $0x619A, v17;
	[tilespmem:s22+$0x0] =	vst v14;
	s17 =	sor.u32 s3, s10;
	s22 =	sadd.s32 $0x16080, s2;
	v29 =	vadd.s32 $0x5A18, v2;
	v30 =	vld.idx.msk [tilespmem:v5+s1+$0x0], $0xffff  }
0x1fd: {  	v11 =	vadd.s32 $0x709E, v4;
	v4 =	vadd.s32 $0x745F, v7;
	v31 =	vadd.s32 $0x5A18, v25;
	v21 =	vld.idx.msk [tilespmem:v13+s1+$0x0], $0xffff;
	[tilespmem:s17+$0x0] =	vst v8;
	s17 =	sor.u32 s0, s22  }
0x1fe: {  	s12 =	sor.u32 s3, s18;
	s18 =	sor.u32 s31, s24;
	v14 =	vadd.s32 $0x691C, v7;
	v15 =	vadd.s32 $0x655B, v17;
	v10 =	vadd.s32 $0x6CDD, v17;
	v24 =	vld.idx.msk [tilespmem:v12+s1+$0x0], $0xffff;
	[tilespmem:s17+$0x0] =	vst v18  }
0x1ff: {  	s7 =	sor.u32 s13, s7;
	s4 =	sadd.s32 $0x17880, s4;
	s24 =	sadd.s32 $0x15080, s14;
	v13 =	vadd.s32 $0x691C, v17;
	v8 =	vadd.s32 $0x709E, v17;
	v23 =	vld.idx.msk [tilespmem:v20+s1+$0x0], $0xffff;
	[tilespmem:s18+$0x0] =	vst v27;
	v27 =	vadd.s32 $0x655B, v1  }
0x200: {  	s28 =	sor.u32 s28, s4;
	s11 =	sor.u32 s25, s8;
	s8 =	sor.u32 s15, s24;
	v5 =	vadd.s32 $0x745F, v17;
	v19 =	vadd.s32 $0x5DD9, v25;
	v26 =	vadd.s32 $0x619A, v25;
	[tilespmem:s7+$0x0] =	vst v22;
	v22 =	vld.idx.msk [tilespmem:v28+s1+$0x0], $0xffff  }
0x201: {  	s10 =	simm.s32 $0x8;
	s3 =	sor.u32 s25, s4;
	s4 =	simm.s32 $0xA0;
	v17 =	vadd.s32 $0x709E, v25;
	v7 =	vadd.s32 $0x745F, v25;
	v20 =	vadd.s32 $0x691C, v25;
	v28 =	vld.idx.msk [tilespmem:v29+s1+$0x0], $0xffff  }
0x202: {  	v12 =	vadd.s32 $0x6CDD, v25;
	v18 =	vadd.s32 $0x655B, v25;
	v25 =	vadd.s32 $0x709E, v0;
	s7 =	sor.u32 s25, s9;
	s9 =	sor.u32 s31, s22;
	s25 =	sor.u32 s13, s24;
	v29 =	vld.idx.msk [tilespmem:v31+s1+$0x0], $0xffff;
	[tilespmem:s28+$0x0] =	vst v30  }
.LBB2_8:
0x203: {  	s28 =	sand.u32 $0x60, s4;
	v30 =	vadd.s32 $0x5DD9, v2;
	s5 =	sadd.s32 $0x100, s5;
	s6 =	sadd.s32 $0x10, s6;
	v31 =	vld.idx.msk [tilespmem:v16+s1+$0x0], $0xffff;
	[tilespmem:s8+$0x0] =	vst v21;
	v16 =	vmov v26  }
0x204: {  	s18 =	sadd.s32 $0x16880, s2;
	s8 =	sand.u32 $0x400, s5;
	s17 =	sand.u32 $0x380, s6;
	v21 =	vld.idx.msk [tilespmem:v27+s1+$0x0], $0xffff;
	[tilespmem:s11+$0x0] =	vst v24  }
0x205: {  	s10 =	sadd.s32 $0x2, s10;
	s11 =	sadd.s32 $0x14080, s23;
	s22 =	sor.u32 s0, s18;
	v24 =	vld.idx.msk [tilespmem:v14+s1+$0x0], $0xffff;
	[tilespmem:s12+$0x0] =	vst v23;
	v14 =	vmov v13;
	v13 =	vmov v20  }
0x206: {  	p0 =	slt.u32 s10, $0x7E;
	s12 =	sor.u32 s17, s8;
	s8 =	sor.u32 s21, s11;
	v20 =	vadd.s32 $0x691C, v1;
	[tilespmem:s22+$0x0] =	vst v22;
	v22 =	vld.idx.msk [tilespmem:v11+s1+$0x0], $0xffff;
	v11 =	vmovc v6;
	v6 =	vmov v8;
	v8 =	vmov v17  }
0x207: {  	s11 =	sor.u32 s16, s11;
	s17 =	sadd.s32 $0x7880, s12;
	s22 =	sor.u32 $0x10, s28;
	[tilespmem:s8+$0x0] =	vst v28;
	v17 =	vld.idx.msk [tilespmem:v25+s1+$0x0], $0xffff  }
0x208: {  	s24 =	sor.u32 s28, s17;
	s17 =	sor.u32 s22, s17;
	[tilespmem:s11+$0x0] =	vst v29;
	v23 =	vld.idx.msk [tilespmem:v30+s1+$0x0], $0xffff;
	s11 =	sadd.s32 $0x15880, s14  }
0x209: {  	v25 =	vadd.s32 $0x745F, v0;
	v0 =	vmov v1;
	v1 =	vmov v2;
	[tilespmem:s25+$0x0] =	vst v31;
	s8 =	sor.u32 s13, s11;
	s25 =	sor.u32 s15, s11;
	s11 =	sor.u32 s31, s18;
	v2 =	vld [tilespmem:s17+$0x0]  }
0x20a: {  	v28 =	vadd.s32 $0x619A, v1;
	v27 =	vld [tilespmem:s24+$0x0];
	[tilespmem:s25+$0x0] =	vst v21;
	s25 =	smov.u32 s31;
	s31 =	smov.u32 s13;
	s13 =	smov.u32 s16  }
0x20b: {  	s17 =	smov.u32 s23;
	s16 =	smov.u32 s28;
	v29 =	vld.idx.msk [tilespmem:v20+s1+$0x0], $0xffff;
	[tilespmem:s9+$0x0] =	vst v24;
	s9 =	sadd.s32 $0x17080, s2  }
0x20c: {  	s18 =	sadd.s32 $0x14880, s17;
	v30 =	vld.idx.msk [tilespmem:v19+s1+$0x0], $0xffff;
	s23 =	sor.u32 s0, s9;
	[tilespmem:s7+$0x0] =	vst v22;
	s7 =	sor.u32 s25, s9  }
0x20d: {  	s24 =	sor.u32 s13, s18;
	s9 =	sor.u32 s21, s18;
	v22 =	vadd.s32 $0x6CDD, v0;
	v31 =	vld.idx.msk [tilespmem:v15+s1+$0x0], $0xffff;
	[tilespmem:s23+$0x0] =	vst v17;
	v15 =	vmov v18;
	s23 =	smov.u32 s12  }
0x20e: {  	s18 =	smov.u32 s0;
	s0 =	smov.u32 s15;
	s15 =	smov.u32 s21;
	v32 =	vadd.s32 $0x5A18, v2;
	[tilespmem:s9+$0x0] =	vst v23;
	v33 =	vld.idx.msk [tilespmem:v25+s1+$0x0], $0xffff  }
0x20f: {  	s28 =	sadd.s32 $0x16080, s14;
	s21 =	smov.u32 s22;
	s12 =	smov.u32 s3;
	v25 =	vadd.s32 $0x5A18, v27;
	v19 =	vadd.s32 $0x5DD9, v27;
	v26 =	vadd.s32 $0x619A, v27;
	v21 =	vld.idx.msk [tilespmem:v28+s1+$0x0], $0xffff  }
.Ltmp3:
0x210: {  	s3 =	sor.u32 s0, s28;
	s9 =	sor.u32 s31, s28;
	v18 =	vadd.s32 $0x655B, v27;
	v20 =	vadd.s32 $0x691C, v27;
	v24 =	vld.idx.msk [tilespmem:v9+s1+$0x0], $0xffff;
	v9 =	vmovc v10;
	v10 =	vmovc v12;
	v12 =	vadd.s32 $0x6CDD, v27;
	(pc) =	sbr.rel @p0 .LBB2_8-.Ltmp3, $4  }
0x211: {  	v17 =	vadd.s32 $0x709E, v27;
	v28 =	vadd.s32 $0x745F, v27;
	v27 =	vadd.s32 $0x655B, v1;
	[tilespmem:s3+$0x0] =	vst v29;
	v23 =	vld.idx.msk [tilespmem:v3+s1+$0x0], $0xffff;
	v3 =	vmovc v4;
	v4 =	vmovc v5  }
0x212: {  	s22 =	sadd.s32 $0x17880, s2;
	s2 =	smov.u32 s14;
	s14 =	smov.u32 s17;
	v5 =	vmov v7;
	v7 =	vmov v28;
	[tilespmem:s24+$0x0] =	vst v30;
	v22 =	vld.idx.msk [tilespmem:v22+s1+$0x0], $0xffff  }
0x213: {  	s17 =	sadd.s32 $0x15080, s14;
	s18 =	sor.u32 s18, s22;
	s3 =	sor.u32 s25, s22;
	v28 =	vld.idx.msk [tilespmem:v32+s1+$0x0], $0xffff;
	[tilespmem:s8+$0x0] =	vst v31  }
0x214: {  	s4 =	sadd.s32 $0x20, s4;
	s25 =	sor.u32 s13, s17;
	s8 =	sor.u32 s15, s17;
	v29 =	vld.idx.msk [tilespmem:v25+s1+$0x0], $0xffff;
	v25 =	vadd.s32 $0x709E, v0;
	[tilespmem:s18+$0x0] =	vst v33  }
0x215: {  	v30 =	vadd.s32 $0x5DD9, v2;
	_ =	sdelay $0x1  }
0x216: {  	s4 =	sadd.s32 $0x14080, s23  }
0x217: {  	s5 =	sor.u32 s21, s4  }
0x218: {  	s4 =	sor.u32 s16, s4;
	[tilespmem:s5+$0x0] =	vst v28  }
0x219: {  	[tilespmem:s4+$0x0] =	vst v29;
	v28 =	vld.idx.msk [tilespmem:v30+s1+$0x0], $0xffff  }
0x21a: {  	v44 =	vadd.s32 $0x619A, v2;
	v19 =	vld.idx.msk [tilespmem:v19+s1+$0x0], $0xffff;
	_ =	sdelay $0x1  }
0x21b: {  	s28 =	sadd.s32 $0x14880, s23  }
0x21c: {  	s6 =	sor.u32 s21, s28  }
0x21d: {  	v16 =	vld.idx.msk [tilespmem:v16+s1+$0x0], $0xffff;
	s4 =	sor.u32 s16, s28;
	[tilespmem:s6+$0x0] =	vst v28  }
0x21e: {  	[tilespmem:s4+$0x0] =	vst v19;
	v28 =	vld.idx.msk [tilespmem:v44+s1+$0x0], $0xffff  }
0x21f: {  	v45 =	vadd.s32 $0x655B, v2;
	v19 =	vld.idx.msk [tilespmem:v26+s1+$0x0], $0xffff  }
0x220: {  	[tilespmem:s11+$0x0] =	vst v24  }
0x221: {  	[tilespmem:s8+$0x0] =	vst v21;
	s10 =	sadd.s32 $0x15080, s23;
	v11 =	vld.idx.msk [tilespmem:v11+s1+$0x0], $0xffff  }
0x222: {  	v21 =	vld.idx.msk [tilespmem:v27+s1+$0x0], $0xffff;
	s11 =	sor.u32 s21, s10;
	[tilespmem:s25+$0x0] =	vst v16  }
0x223: {  	v46 =	vadd.s32 $0x691C, v1;
	v15 =	vld.idx.msk [tilespmem:v15+s1+$0x0], $0xffff;
	s4 =	sor.u32 s16, s10;
	[tilespmem:s11+$0x0] =	vst v28  }
0x224: {  	[tilespmem:s4+$0x0] =	vst v19;
	v47 =	vld.idx.msk [tilespmem:v45+s1+$0x0], $0xffff  }
0x225: {  	s17 =	sadd.s32 $0x15880, s14;
	v48 =	vadd.s32 $0x691C, v2;
	[tilespmem:s12+$0x0] =	vst v23;
	v18 =	vld.idx.msk [tilespmem:v18+s1+$0x0], $0xffff  }
0x226: {  	v14 =	vld.idx.msk [tilespmem:v14+s1+$0x0], $0xffff;
	[tilespmem:s7+$0x0] =	vst v11;
	s6 =	sor.u32 s15, s17  }
0x227: {  	s22 =	sadd.s32 $0x15880, s23;
	s5 =	sor.u32 s13, s17;
	v3 =	vld.idx.msk [tilespmem:v3+s1+$0x0], $0xffff;
	[tilespmem:s6+$0x0] =	vst v21  }
0x228: {  	s24 =	sor.u32 s21, s22;
	[tilespmem:s5+$0x0] =	vst v15;
	v49 =	vld.idx.msk [tilespmem:v46+s1+$0x0], $0xffff  }
0x229: {  	v50 =	vadd.s32 $0x6CDD, v1;
	s25 =	sor.u32 s16, s22;
	v13 =	vld.idx.msk [tilespmem:v13+s1+$0x0], $0xffff;
	[tilespmem:s24+$0x0] =	vst v47  }
0x22a: {  	[tilespmem:s25+$0x0] =	vst v18;
	v51 =	vld.idx.msk [tilespmem:v48+s1+$0x0], $0xffff  }
0x22b: {  	v52 =	vadd.s32 $0x6CDD, v2;
	s28 =	sadd.s32 $0x16080, s14;
	[tilespmem:s9+$0x0] =	vst v14;
	v53 =	vld.idx.msk [tilespmem:v20+s1+$0x0], $0xffff  }
0x22c: {  	s8 =	sor.u32 s15, s28;
	[tilespmem:s3+$0x0] =	vst v3  }
0x22d: {  	s9 =	sadd.s32 $0x16080, s23;
	v9 =	vld.idx.msk [tilespmem:v9+s1+$0x0], $0xffff;
	s6 =	sor.u32 s13, s28;
	[tilespmem:s8+$0x0] =	vst v49  }
0x22e: {  	s10 =	sor.u32 s21, s9;
	[tilespmem:s6+$0x0] =	vst v13;
	v55 =	vld.idx.msk [tilespmem:v50+s1+$0x0], $0xffff  }
0x22f: {  	v56 =	vadd.s32 $0x709E, v1;
	s5 =	sor.u32 s16, s9;
	s4 =	sadd.s32 $0x16880, s2;
	v10 =	vld.idx.msk [tilespmem:v10+s1+$0x0], $0xffff;
	[tilespmem:s10+$0x0] =	vst v51  }
0x230: {  	s18 =	sor.u32 s0, s4;
	[tilespmem:s5+$0x0] =	vst v53;
	v57 =	vld.idx.msk [tilespmem:v52+s1+$0x0], $0xffff  }
0x231: {  	v58 =	vadd.s32 $0x709E, v2;
	s17 =	sadd.s32 $0x16880, s14;
	s4 =	sor.u32 s31, s4;
	[tilespmem:s18+$0x0] =	vst v22;
	v12 =	vld.idx.msk [tilespmem:v12+s1+$0x0], $0xffff  }
0x232: {  	s18 =	sor.u32 s15, s17;
	[tilespmem:s4+$0x0] =	vst v9;
	v54 =	vld.idx.msk [tilespmem:v25+s1+$0x0], $0xffff  }
0x233: {  	v0 =	vadd.s32 $0x745F, v0;
	s22 =	sadd.s32 $0x16880, s23;
	v6 =	vld.idx.msk [tilespmem:v6+s1+$0x0], $0xffff;
	s25 =	sor.u32 s13, s17;
	[tilespmem:s18+$0x0] =	vst v55  }
0x234: {  	s24 =	sor.u32 s21, s22;
	[tilespmem:s25+$0x0] =	vst v10;
	v59 =	vld.idx.msk [tilespmem:v56+s1+$0x0], $0xffff  }
0x235: {  	v60 =	vadd.s32 $0x745F, v1;
	s11 =	sadd.s32 $0x17080, s2;
	s6 =	sor.u32 s16, s22;
	v8 =	vld.idx.msk [tilespmem:v8+s1+$0x0], $0xffff;
	[tilespmem:s24+$0x0] =	vst v57  }
0x236: {  	s12 =	sor.u32 s0, s11;
	[tilespmem:s6+$0x0] =	vst v12;
	v61 =	vld.idx.msk [tilespmem:v58+s1+$0x0], $0xffff  }
0x237: {  	v62 =	vadd.s32 $0x745F, v2;
	s9 =	sadd.s32 $0x17080, s14;
	s11 =	sor.u32 s31, s11;
	[tilespmem:s12+$0x0] =	vst v54;
	v63 =	vld.idx.msk [tilespmem:v17+s1+$0x0], $0xffff  }
0x238: {  	[tilespmem:s11+$0x0] =	vst v6;
	v0 =	vld.idx.msk [tilespmem:v0+s1+$0x0], $0xffff;
	s10 =	sor.u32 s15, s9  }
0x239: {  	s12 =	sadd.s32 $0x17080, s23;
	v4 =	vld.idx.msk [tilespmem:v4+s1+$0x0], $0xffff;
	s5 =	sor.u32 s13, s9;
	[tilespmem:s10+$0x0] =	vst v59  }
0x23a: {  	s28 =	sadd.s32 $0x17880, s2;
	s17 =	sor.u32 s21, s12;
	[tilespmem:s5+$0x0] =	vst v8;
	v1 =	vld.idx.msk [tilespmem:v60+s1+$0x0], $0xffff  }
0x23b: {  	s8 =	sor.u32 s0, s28;
	s0 =	sor.u32 s16, s12;
	v5 =	vld.idx.msk [tilespmem:v5+s1+$0x0], $0xffff;
	[tilespmem:s17+$0x0] =	vst v61  }
0x23c: {  	[tilespmem:s0+$0x0] =	vst v63;
	v2 =	vld.idx.msk [tilespmem:v62+s1+$0x0], $0xffff  }
0x23d: {  	s2 =	sor.u32 s31, s28;
	s18 =	sadd.s32 $0x17880, s14;
	[tilespmem:s8+$0x0] =	vst v0;
	v0 =	vld.idx.msk [tilespmem:v7+s1+$0x0], $0xffff  }
0x23e: {  	s22 =	sor.u32 s15, s18;
	[tilespmem:s2+$0x0] =	vst v4  }
0x23f: {  	s23 =	sadd.s32 $0x17880, s23;
	s25 =	sor.u32 s13, s18;
	[tilespmem:s22+$0x0] =	vst v1  }
0x240: {  	s24 =	sor.u32 s21, s23;
	[tilespmem:s25+$0x0] =	vst v5  }
0x241: {  	s0 =	sor.u32 s16, s23;
	[tilespmem:s24+$0x0] =	vst v2  }
0x242: {  	[tilespmem:s0+$0x0] =	vst v0  }
0x243: {  	s28 =	simm.s32 $0x14080;
	s0 =	rddreg [dreg:$0xc]  }
0x244: {  	[hbm4b:s0+s19] =	stream.strided.scatter [tilespmem:s28], [sflag:$0x5], $0x4000, s20, s19, $0x38;
	[tilespmem:$0x18080] =	vst v63  }
0x245: {  	_ =	swait.ge [sflag:s29], $0x4000  }
0x246: {  	[sflag:s29] =	ssyncset.done $0x0  }
0x247: {  	[sflag:s29] =	ssyncadd.s32 $0xFFFFC000  }
0x248: {  	_ =	swait.ge [sflag:s29], $0x4000  }
0x249: {  	[sflag:s29] =	ssyncset.done $0x0  }
0x24a: {  	[sflag:s29] =	ssyncadd.s32 $0xFFFFC000  }
0x24b: {  	_ =	swait.ge [sflag:s29], $0x4000  }
0x24c: {  	[sflag:s29] =	ssyncset.done $0x0  }
0x24d: {  	[sflag:s29] =	ssyncadd.s32 $0xFFFFC000  }
0x24e: {  	_ =	swait.ge [sflag:s29], $0x4000  }
0x24f: {  	s30 =	sadd.s32 $0x1, s30;
	s31 =	rddreg [dreg:$0xd]  }
0x250: {  	p0 =	sne.s32 s30, s31  }
.Ltmp4:
0x251: {  	_ = 	snop;
	(pc) =	sbr.rel @p0 .LBB2_1-.Ltmp4, $3  }
0x252: {  	_ =	sdelay $0x1  }
0x253: {  	[sflag:s29] =	ssyncset.done $0x0  }
0x254: {  	[sflag:s29] =	ssyncadd.s32 $0xFFFFC000  }
0x255: {  	_ =	sfence.sel $0x180000  }
0x256: {  	[bflag:$0x0] =	sbarrier.arrive $0xFFFF  }
0x257: {  	_ =	strace $0x90000047  }
0x258: {  	s0 =	stileid.u32;
	[bflag:$0x2] =	sbarrier.arrive $0xFFFF  }
0x259: {  	p0 =	sne.s32 s0, $0x0;
	s0 =	rddreg [dreg:$0x3]  }
0x25a: {  	s0 =	sadd.s32 @!p0 $0x100000, s0  }
0x25b: {  	[sflag:s0] =	ssyncadd.tile.s32 @!p0 $0x1;
	_ =	shalt  }
.Lfunc_end2:
_tile_overlayer_lowered:
.L_overlay_start_2:
0x25c: {  	(tag) =	ssettag $0x2  }
0x25d: {  	s0 =	rddreg [dreg:$0x0];
	s2 =	stileid.u32  }
0x25e: {  	s1 =	rddreg [dreg:$0x1];
	p0 =	sne.s32 s2, $0x0  }
0x25f: {  	s3 =	rddreg [dreg:$0x2];
	[bflag:$0x3] =	sbarrier.arrive $0xFFFF;
	s2 =	simm.s32 @!p0 $0x1C06  }
0x260: {  	[timem:s3], [sflag:s2] =	dma.local @!p0 [hbm:s0], s1  }
0x261: {  	s0 =	simm.s32 @!p0 $0x6  }
0x262: {  	_ =	swait.ge @!p0 [sflag:s0], s1  }
0x263: {  	s1 =	ssub.s32 @!p0 $0x0, s1;
	[sflag:s0] =	ssyncset.done @!p0 $0x0  }
0x264: {  	[sflag:s0] =	ssyncadd.s32 @!p0 s1  }
0x265: {  	[bflag:$0x3] =	sbarrier.arrive $0xFFFF  }
0x266: {  	_ =	shalt  }

</sc_bundles>
